<compile_context>
chip_gen: v7x
topology: tpu7x:2x2x1
jax: 0.10.2.dev20260603
libtpu: 0.0.44.dev20260713+nightly
codegen_flags: <defaults>
</compile_context>

<pallas_src>
import functools

import jax
import jax.numpy as jnp
from jax import lax
from jax.experimental import pallas as pl
from jax.experimental.pallas import tpu as pltpu
from jax.experimental.pallas import tpu_sc as plsc

N = 10000
B = 8
NP = N // B
NPAD = 1280
NT = B * NPAD
K = 16
TILE = 1280
TPG = NPAD // TILE
GRID3 = NT // TILE
RT = 256
E = NT * K
NWORK = 32
EPW = E // NWORK
CH = 128
NCH = EPW // CH

_PREC = lax.Precision.DEFAULT


def _dot(a, b):
    return lax.dot_general(a, b, (((1,), (0,)), ((), ())),
                           precision=_PREC, preferred_element_type=jnp.float32)


def _knn_body(rows_ref, cols_ref, idx_ref):
    g = pl.program_id(0)
    r = pl.program_id(1)
    rows = rows_ref[0]
    cols = cols_ref[0]
    d = jnp.zeros((RT, NPAD), jnp.float32)
    for c in range(3):
        df = rows[:, c:c + 1] - cols[c:c + 1, :]
        d = d + df * df
    colid = lax.broadcasted_iota(jnp.int32, (RT, NPAD), 1)
    selfid = lax.broadcasted_iota(jnp.int32, (RT, 1), 0) + r * RT
    picks = [selfid]
    d = jnp.where(colid == selfid, jnp.float32(jnp.inf), d)
    for k in range(1, K):
        j = jnp.argmin(d, axis=1).astype(jnp.int32)[:, None]
        picks.append(j)
        if k < K - 1:
            d = jnp.where(colid == j, jnp.float32(jnp.inf), d)
    idx_ref[0] = jnp.concatenate(picks, axis=1) + g * NPAD


def _knn(posg, ptr):
    return pl.pallas_call(
        _knn_body,
        grid=(B, NPAD // RT),
        in_specs=[
            pl.BlockSpec((1, RT, 4), lambda g, r: (g, r, 0)),
            pl.BlockSpec((1, 4, NPAD), lambda g, r: (g, 0, 0)),
        ],
        out_specs=pl.BlockSpec((1, RT, K), lambda g, r: (g, r, 0)),
        out_shape=jax.ShapeDtypeStruct((B, NPAD, K), jnp.int32),
    )(posg, ptr)


def _gather_rows(table, idxf):
    mesh = plsc.VectorSubcoreMesh(core_axis_name="c", subcore_axis_name="s")

    @functools.partial(
        pl.kernel, mesh=mesh,
        compiler_params=pltpu.CompilerParams(use_tc_tiling_on_sc=False),
        out_type=jax.ShapeDtypeStruct((E, 16), jnp.float32),
        scratch_types=[
            pltpu.VMEM((EPW,), jnp.int32),
            pltpu.VMEM((EPW, 16), jnp.float32),
            pltpu.SemaphoreType.DMA,
        ],
    )
    def k(table_hbm, idx_hbm, out_hbm, idx_v, rows_v, sem):
        wid = lax.axis_index("s") * 2 + lax.axis_index("c")
        base = wid * EPW
        pltpu.sync_copy(idx_hbm.at[pl.ds(base, EPW)], idx_v)

        def body(c, carry):
            off = pl.multiple_of(c * CH, 8)
            pltpu.async_copy(table_hbm.at[idx_v.at[pl.ds(off, CH)]],
                             rows_v.at[pl.ds(off, CH)], sem)
            return carry

        lax.fori_loop(0, NCH, body, 0)
        pltpu.make_async_copy(table_hbm.at[pl.ds(0, EPW)], rows_v, sem).wait()
        pltpu.sync_copy(rows_v, out_hbm.at[pl.ds(base, EPW)])

    return k(table, idxf)


def _s3_body(g_ref, posp_ref, qpi_ref,
             wc0a_ref, bc0_ref, wc1_ref, bc1_ref, wc2_ref, bc2_ref,
             ws0x_ref, ws0p_ref, bs0_ref, ws1_ref, bs1_ref, ws2_ref, bs2_ref,
             q_ref, scene_ref, xs_ref):
    t = pl.program_id(0)
    pos_t = posp_ref[...]
    pj = g_ref[...]
    pd = pj - jnp.broadcast_to(pos_t[:, None, :],
                               (TILE, K, 16)).reshape(TILE * K, 16)
    feat = jnp.concatenate([pj, pd], axis=1)
    h1 = _dot(feat, wc0a_ref[...]) + bc0_ref[...]
    h1 = jnp.maximum(h1, 0.0)
    h2 = jnp.maximum(_dot(h1, wc1_ref[...]) + bc1_ref[...], 0.0)
    msg = _dot(h2, wc2_ref[...])
    x_t = jnp.max(msg.reshape(TILE, K, 256), axis=1) + bc2_ref[...]
    s0 = jnp.maximum(_dot(x_t, ws0x_ref[...]) + _dot(pos_t, ws0p_ref[...])
                     + bs0_ref[...], 0.0)
    s1 = jnp.maximum(_dot(s0, ws1_ref[...]) + bs1_ref[...], 0.0)
    h = _dot(s1, ws2_ref[...]) + bs2_ref[...]
    rowloc = lax.broadcasted_iota(jnp.int32, (TILE, 1), 0) + (t % TPG) * TILE
    hm = jnp.where(rowloc >= NP, jnp.float32(-3e38), h)
    tile_max = jnp.max(hm, axis=0, keepdims=True)

    @pl.when(t % TPG == 0)
    def _():
        scene_ref[...] = jnp.full((1, 1, 1024), -3e38, jnp.float32)

    scene_ref[...] = jnp.maximum(scene_ref[...], tile_max[None])

    @pl.when(t == 0)
    def _():
        q_ref[...] = jnp.zeros((B, 256), jnp.float32)

    xs_ref[...] = x_t
    for b in range(B):
        rb = qpi_ref[0, b] - t * TILE
        @pl.when(jnp.logical_and(rb >= 0, rb < TILE))
        def _():
            q_ref[pl.ds(b, 1), :] = xs_ref[pl.ds(rb, 1), :]


def _s3(g, posp16, qpi, wc0a, bc0, wc1, bc1, wc2, bc2,
        ws0x, ws0p, bs0, ws1, bs1, ws2, bs2):
    full = lambda shape: pl.BlockSpec(shape, lambda t: tuple(0 for _ in shape))
    return pl.pallas_call(
        _s3_body,
        grid=(GRID3,),
        scratch_shapes=[pltpu.VMEM((TILE, 256), jnp.float32)],
        in_specs=[
            pl.BlockSpec((TILE * K, 16), lambda t: (t, 0)),
            pl.BlockSpec((TILE, 16), lambda t: (t, 0)),
            pl.BlockSpec(memory_space=pltpu.SMEM),
            full((32, 64)), full((1, 64)),
            full((64, 128)), full((1, 128)),
            full((128, 256)), full((1, 256)),
            full((256, 256)), full((16, 256)), full((1, 256)),
            full((256, 512)), full((1, 512)),
            full((512, 1024)), full((1, 1024)),
        ],
        out_specs=[
            pl.BlockSpec((B, 256), lambda t: (0, 0)),
            pl.BlockSpec((1, 1, 1024), lambda t: (t // TPG, 0, 0)),
        ],
        out_shape=[
            jax.ShapeDtypeStruct((B, 256), jnp.float32),
            jax.ShapeDtypeStruct((B, 1, 1024), jnp.float32),
        ],
    )(g, posp16, qpi, wc0a, bc0, wc1, bc1, wc2, bc2,
      ws0x, ws0p, bs0, ws1, bs1, ws2, bs2)


def _s4_body(q_ref, sc_ref, wp0a_ref, wp0b_ref, bp0_ref, wp1_ref, bp1_ref,
             wp2_ref, bp2_ref, out_ref):
    e0 = jnp.maximum(_dot(q_ref[...], wp0a_ref[...])
                     + _dot(sc_ref[...], wp0b_ref[...]) + bp0_ref[...], 0.0)
    e1 = jnp.maximum(_dot(e0, wp1_ref[...]) + bp1_ref[...], 0.0)
    out_ref[...] = _dot(e1, wp2_ref[...]) + bp2_ref[...]


def _s4(q, scene, wp0a, wp0b, bp0, wp1, bp1, wp2, bp2):
    return pl.pallas_call(
        _s4_body,
        out_shape=jax.ShapeDtypeStruct((B, 16), jnp.float32),
    )(q, scene, wp0a, wp0b, bp0, wp1, bp1, wp2, bp2)


def kernel(pos, batch, query_point_idx,
           Wc0, bc0, Wc1, bc1, Wc2, bc2,
           Ws0, bs0, Ws1, bs1, Ws2, bs2,
           Wp0, bp0, Wp1, bp1, Wp2, bp2):
    posg = jnp.pad(pos.reshape(B, NP, 3), ((0, 0), (0, NPAD - NP), (0, 1)),
                   constant_values=1e4)
    ptr = jnp.transpose(posg, (0, 2, 1))
    posp16 = jnp.pad(posg.reshape(NT, 4), ((0, 0), (0, 12)))

    idx = _knn(posg, ptr)
    g = _gather_rows(posp16, idx.reshape(E))

    z13 = jnp.zeros((13, 64), jnp.float32)
    wc0a = jnp.concatenate([Wc0[:3], z13, Wc0[3:], z13])
    ws0x = Ws0[:256]
    ws0p = jnp.concatenate([Ws0[256:], jnp.zeros((13, 256), jnp.float32)])

    qpi = query_point_idx.astype(jnp.int32)
    qpi_pad = ((qpi // NP) * NPAD + qpi % NP).reshape(1, B)

    row = lambda v: v.reshape(1, -1)
    q, scene = _s3(g, posp16, qpi_pad, wc0a, row(bc0), Wc1, row(bc1),
                   Wc2, row(bc2), ws0x, ws0p, row(bs0), Ws1, row(bs1),
                   Ws2, row(bs2))
    scene = scene.reshape(B, 1024)
    return _s4(q, scene, Wp0[:256], Wp0[256:], row(bp0), Wp1, row(bp1),
               Wp2, row(bp2))

# --- scband reference (transcript-rebuilt; emitter-appended) ---
"""Pipeline reference for scband-gewa-net-25271587570245 (READ-ONLY COPY).

The authoritative reference and input builder live on the scoring server;
editing this copy changes nothing except your own understanding.
"""

import jax, jax.numpy as jnp
import numpy as np

N = 10000
B = 8
NP = N // B
K = 16
SCENE = 1024
PF = 256
OUT = 16


def _mlp(h, Ws, bs):
    n = len(Ws)
    for i in range(n):
        h = h @ Ws[i] + bs[i]
        if i < n - 1:
            h = jax.nn.relu(h)
    return h


def setup_inputs(seed: int = 0) -> dict:
    key = jax.random.key(seed)
    ks = jax.random.split(key, 24)
    inp = {}
    inp["pos"] = jax.random.normal(ks[0], (N, 3), dtype=jnp.float32)
    inp["batch"] = jnp.repeat(jnp.arange(B), NP)
    inp["query_point_idx"] = jax.random.randint(ks[1], (B,), 0, N)

    def w(k, i, o):
        return (jax.random.normal(k, (i, o), dtype=jnp.float32) * (1.0 / np.sqrt(i))).astype(jnp.float32)

    dims_conv = [6, 64, 128, PF]
    for i in range(3):
        inp[f"Wc{i}"] = w(ks[2 + i], dims_conv[i], dims_conv[i + 1])
        inp[f"bc{i}"] = jnp.zeros((dims_conv[i + 1],), jnp.float32)
    dims_sa = [PF + 3, PF, 512, SCENE]
    for i in range(3):
        inp[f"Ws{i}"] = w(ks[6 + i], dims_sa[i], dims_sa[i + 1])
        inp[f"bs{i}"] = jnp.zeros((dims_sa[i + 1],), jnp.float32)
    dims_p = [SCENE + PF, SCENE // 2, SCENE // 4, OUT]
    for i in range(3):
        inp[f"Wp{i}"] = w(ks[10 + i], dims_p[i], dims_p[i + 1])
        inp[f"bp{i}"] = jnp.zeros((dims_p[i + 1],), jnp.float32)
    return inp


def _knn_idx(pos):
    # batch-aware knn: each graph is a contiguous block of NP points
    pg = pos.reshape(B, NP, 3)

    def per_graph(p):
        d = jnp.sum((p[:, None, :] - p[None, :, :]) ** 2, axis=-1)
        _, idx = jax.lax.top_k(-d, K)
        return idx

    idx = jax.lax.map(per_graph, pg)  # [B, NP, K], local indices (self included)
    idx = idx + (jnp.arange(B) * NP)[:, None, None]
    return idx.reshape(N, K)


def reference(pos, batch, query_point_idx,
              Wc0, bc0, Wc1, bc1, Wc2, bc2,
              Ws0, bs0, Ws1, bs1, Ws2, bs2,
              Wp0, bp0, Wp1, bp1, Wp2, bp2):
    # KnnEncoder: knn graph
    idx = _knn_idx(pos)                              # [N, K]
    pos_j = pos[idx]                                 # gather: [N, K, 3]
    feat = jnp.concatenate([pos_j, pos_j - pos[:, None, :]], axis=-1)  # [N, K, 6]
    # PointNetConv local MLP([6,64,128,256]) with max aggregation
    msg = _mlp(feat, [Wc0, Wc1, Wc2], [bc0, bc1, bc2])  # [N, K, 256]
    x = jnp.max(msg, axis=1)                            # [N, 256]
    # GlobalSAModule: MLP([259,256,512,1024]) then global max pool per graph
    h = _mlp(jnp.concatenate([x, pos], axis=-1), [Ws0, Ws1, Ws2], [bs0, bs1, bs2])  # [N, 1024]
    scene_feat = jax.ops.segment_max(h, batch, num_segments=B)  # [B, 1024]
    # gather query-point features and concat
    point_feat = x[query_point_idx]                              # [B, 256]
    edge_feat = jnp.concatenate([point_feat, scene_feat], axis=1)  # [B, 1280]
    # EdgeGraspPredictor MLP
    out = _mlp(edge_feat, [Wp0, Wp1, Wp2], [bp0, bp1, bp2])      # [B, 16]
    return out

if __name__ == "__main__":
    import jax
    _d = setup_inputs()
    print(jax.jit(kernel)(*tuple(_d.values())))

</pallas_src>

<mosaic_0001>
#map = affine_map<(d0, d1) -> (0, 0)>
#map1 = affine_map<(d0, d1) -> (0)>
module attributes {stable_mosaic.version = 14 : i64} {
  func.func @k(%arg0: i32, %arg1: i32, %arg2: memref<10240x16xf32, #tpu.memory_space<hbm>>, %arg3: memref<163840xi32, #tpu.memory_space<hbm>>, %arg4: memref<163840x16xf32, #tpu.memory_space<hbm>>, %arg5: memref<5120xi32, #tpu.memory_space<vmem>>, %arg6: memref<5120x16xf32, #tpu.memory_space<vmem>>, %arg7: memref<!tpu.dma_semaphore, #tpu.memory_space<semaphore_mem>>) attributes {dimension_semantics = [#tpu.dimension_semantics<core_parallel>, #tpu.dimension_semantics<subcore_parallel>], iteration_bounds = array<i64: 2, 16>, scalar_prefetch = 0 : i64, scratch_operands = 3 : i64, tpu.core_type = #tpu.core_type<sc_vector_subcore>, window_params = [{transform_indices = #map}, {transform_indices = #map1}, {transform_indices = #map}]} {
    %mul3A = arith.constant 2 : i32
    %mul3A_0 = arith.muli %arg1, %mul3A : i32
    %add3A = arith.addi %mul3A_0, %arg0 : i32
    %mul3A_1 = arith.constant 5120 : i32
    %mul3A_2 = arith.muli %add3A, %mul3A_1 : i32
    "tpu.region"() ({
      %run_scoped3A = tpu.sem_alloc : memref<!tpu.dma_semaphore, #tpu.memory_space<semaphore_mem>>
      %dma_start3A = tpu.memref_slice %arg3[%mul3A_2] : memref<163840xi32, #tpu.memory_space<hbm>> -> memref<5120xi32, #tpu.memory_space<hbm>>
      %dma_start3A_13 = tpu.memref_slice %arg3[%mul3A_2] : memref<163840xi32, #tpu.memory_space<hbm>> -> memref<5120xi32, #tpu.memory_space<hbm>>
      tpu.enqueue_dma source(%dma_start3A_13 : memref<5120xi32, #tpu.memory_space<hbm>>) target(%arg5 : memref<5120xi32, #tpu.memory_space<vmem>>) target_semaphore(%run_scoped3A : memref<!tpu.dma_semaphore, #tpu.memory_space<semaphore_mem>>)
      %dma_wait3A_14 = tpu.memref_slice %arg3[%mul3A_2] : memref<163840xi32, #tpu.memory_space<hbm>> -> memref<5120xi32, #tpu.memory_space<hbm>>
      %dma_wait3A_15 = tpu.memref_slice %arg3[%mul3A_2] : memref<163840xi32, #tpu.memory_space<hbm>> -> memref<5120xi32, #tpu.memory_space<hbm>>
      tpu.wait_dma2 semaphore(%run_scoped3A : memref<!tpu.dma_semaphore, #tpu.memory_space<semaphore_mem>>) src(%dma_wait3A_15 : memref<5120xi32, #tpu.memory_space<hbm>>) dst(%arg5 : memref<5120xi32, #tpu.memory_space<vmem>>)
      tpu.yield
    }) : () -> ()
    %scan3A = arith.constant 0 : i32
    %scan3A_3 = arith.constant 0 : i32
    %scan3A_4 = arith.constant 40 : i32
    %scan3A_5 = arith.addi %scan3A_3, %scan3A_4 : i32
    %scan3A_6 = arith.constant 1 : i32
    scf.for %scan3A_13 = %scan3A_3 to %scan3A_5 step %scan3A_6  : i32 {
      %mul3A_14 = arith.constant 128 : i32
      %mul3A_15 = arith.muli %scan3A_13, %mul3A_14 : i32
      %multiple_of3A = tpu.assume_multiple %mul3A_15, 8 : i32
      %dma_start3A = arith.constant 0 : i32
      %dma_start3A_16 = tpu.memref_slice %arg6[%multiple_of3A, %dma_start3A] : memref<5120x16xf32, #tpu.memory_space<vmem>> -> memref<128x16xf32, #tpu.memory_space<vmem>>
      %dma_start3A_17 = tpu.memref_slice %arg5[%multiple_of3A] : memref<5120xi32, #tpu.memory_space<vmem>> -> memref<128xi32, #tpu.memory_space<vmem>>
      %dma_start3A_18 = arith.constant 0 : i32
      %dma_start3A_19 = arith.constant 0 : i32
      %dma_start3A_20 = tpu.memref_slice %arg2[%dma_start3A_18, %dma_start3A_19] : memref<10240x16xf32, #tpu.memory_space<hbm>> -> memref<10240x16xf32, #tpu.memory_space<hbm>>
      tpu.enqueue_indirect_dma source(%dma_start3A_20 : memref<10240x16xf32, #tpu.memory_space<hbm>>) target(%dma_start3A_16 : memref<128x16xf32, #tpu.memory_space<vmem>>) offsets(%dma_start3A_17 : memref<128xi32, #tpu.memory_space<vmem>>) semaphore(%arg7 : memref<!tpu.dma_semaphore, #tpu.memory_space<semaphore_mem>>)
    }
    %scan3A_7 = arith.constant 40 : i32
    %dma_wait3A = arith.constant 0 : i32
    %dma_wait3A_8 = arith.constant 0 : i32
    %dma_wait3A_9 = tpu.memref_slice %arg2[%dma_wait3A, %dma_wait3A_8] : memref<10240x16xf32, #tpu.memory_space<hbm>> -> memref<5120x16xf32, #tpu.memory_space<hbm>>
    %dma_wait3A_10 = arith.constant 0 : i32
    %dma_wait3A_11 = arith.constant 0 : i32
    %dma_wait3A_12 = tpu.memref_slice %arg2[%dma_wait3A_10, %dma_wait3A_11] : memref<10240x16xf32, #tpu.memory_space<hbm>> -> memref<5120x16xf32, #tpu.memory_space<hbm>>
    tpu.wait_dma2 semaphore(%arg7 : memref<!tpu.dma_semaphore, #tpu.memory_space<semaphore_mem>>) src(%dma_wait3A_12 : memref<5120x16xf32, #tpu.memory_space<hbm>>) dst(%arg6 : memref<5120x16xf32, #tpu.memory_space<vmem>>)
    "tpu.region"() ({
      %run_scoped3A = tpu.sem_alloc : memref<!tpu.dma_semaphore, #tpu.memory_space<semaphore_mem>>
      %dma_start3A = arith.constant 0 : i32
      %dma_start3A_13 = tpu.memref_slice %arg4[%mul3A_2, %dma_start3A] : memref<163840x16xf32, #tpu.memory_space<hbm>> -> memref<5120x16xf32, #tpu.memory_space<hbm>>
      %dma_start3A_14 = arith.constant 0 : i32
      %dma_start3A_15 = tpu.memref_slice %arg4[%mul3A_2, %dma_start3A_14] : memref<163840x16xf32, #tpu.memory_space<hbm>> -> memref<5120x16xf32, #tpu.memory_space<hbm>>
      tpu.enqueue_dma source(%arg6 : memref<5120x16xf32, #tpu.memory_space<vmem>>) target(%dma_start3A_15 : memref<5120x16xf32, #tpu.memory_space<hbm>>) target_semaphore(%run_scoped3A : memref<!tpu.dma_semaphore, #tpu.memory_space<semaphore_mem>>)
      %dma_wait3A_16 = arith.constant 0 : i32
      %dma_wait3A_17 = tpu.memref_slice %arg4[%mul3A_2, %dma_wait3A_16] : memref<163840x16xf32, #tpu.memory_space<hbm>> -> memref<5120x16xf32, #tpu.memory_space<hbm>>
      %dma_wait3A_18 = arith.constant 0 : i32
      %dma_wait3A_19 = tpu.memref_slice %arg4[%mul3A_2, %dma_wait3A_18] : memref<163840x16xf32, #tpu.memory_space<hbm>> -> memref<5120x16xf32, #tpu.memory_space<hbm>>
      tpu.wait_dma2 semaphore(%run_scoped3A : memref<!tpu.dma_semaphore, #tpu.memory_space<semaphore_mem>>) src(%arg6 : memref<5120x16xf32, #tpu.memory_space<vmem>>) dst(%dma_wait3A_19 : memref<5120x16xf32, #tpu.memory_space<hbm>>)
      tpu.yield
    }) : () -> ()
    return
  }
}

module attributes {stable_mosaic.version = 14 : i64} {
  func.func @_knn_body(%arg0: i32, %arg1: i32, %arg2: memref<1x256x4xf32, #tpu.memory_space<vmem>>, %arg3: memref<1x4x1280xf32, #tpu.memory_space<vmem>>, %arg4: memref<1x256x16xi32, #tpu.memory_space<vmem>>) attributes {dimension_semantics = [#tpu.dimension_semantics<arbitrary>, #tpu.dimension_semantics<arbitrary>], iteration_bounds = array<i64: 8, 5>, scalar_prefetch = 0 : i64, scratch_operands = 0 : i64, tpu.core_type = #tpu.core_type<tc>, window_params = [{transform_indices = @transform_0, window_bounds = array<i64: 1, 256, 4>}, {transform_indices = @transform_1, window_bounds = array<i64: 1, 4, 1280>}, {transform_indices = @transform_2, window_bounds = array<i64: 1, 256, 16>}]} {
    %get3A = arith.constant 0 : index
    %get3A_0 = arith.constant 0 : index
    %get3A_1 = arith.constant 0 : index
    %get3A_2 = vector.load %arg2[%get3A, %get3A_0, %get3A_1] : memref<1x256x4xf32, #tpu.memory_space<vmem>>, vector<1x256x4xf32>
    %get3A_3 = vector.shape_cast %get3A_2 : vector<1x256x4xf32> to vector<256x4xf32>
    %get3A_4 = arith.constant 0 : index
    %get3A_5 = arith.constant 0 : index
    %get3A_6 = arith.constant 0 : index
    %get3A_7 = vector.load %arg3[%get3A_4, %get3A_5, %get3A_6] : memref<1x4x1280xf32, #tpu.memory_space<vmem>>, vector<1x4x1280xf32>
    %get3A_8 = vector.shape_cast %get3A_7 : vector<1x4x1280xf32> to vector<4x1280xf32>
    %broadcast_in_dim3A = arith.constant 0.000000e+00 : f32
    %broadcast_in_dim3A_9 = vector.broadcast %broadcast_in_dim3A : f32 to vector<256x1280xf32>
    %slice3A = vector.extract_strided_slice %get3A_3 {offsets = [0, 0], sizes = [256, 1], strides = [1, 1]} : vector<256x4xf32> to vector<256x1xf32>
    %slice3A_10 = vector.extract_strided_slice %get3A_8 {offsets = [0, 0], sizes = [1, 1280], strides = [1, 1]} : vector<4x1280xf32> to vector<1x1280xf32>
    %sub3A = vector.broadcast %slice3A : vector<256x1xf32> to vector<256x1280xf32>
    %sub3A_11 = vector.broadcast %slice3A_10 : vector<1x1280xf32> to vector<256x1280xf32>
    %sub3A_12 = arith.subf %sub3A, %sub3A_11 : vector<256x1280xf32>
    %mul3A = arith.mulf %sub3A_12, %sub3A_12 : vector<256x1280xf32>
    %add3A = arith.addf %broadcast_in_dim3A_9, %mul3A : vector<256x1280xf32>
    %slice3A_13 = vector.extract_strided_slice %get3A_3 {offsets = [0, 1], sizes = [256, 1], strides = [1, 1]} : vector<256x4xf32> to vector<256x1xf32>
    %slice3A_14 = vector.extract_strided_slice %get3A_8 {offsets = [1, 0], sizes = [1, 1280], strides = [1, 1]} : vector<4x1280xf32> to vector<1x1280xf32>
    %sub3A_15 = vector.broadcast %slice3A_13 : vector<256x1xf32> to vector<256x1280xf32>
    %sub3A_16 = vector.broadcast %slice3A_14 : vector<1x1280xf32> to vector<256x1280xf32>
    %sub3A_17 = arith.subf %sub3A_15, %sub3A_16 : vector<256x1280xf32>
    %mul3A_18 = arith.mulf %sub3A_17, %sub3A_17 : vector<256x1280xf32>
    %add3A_19 = arith.addf %add3A, %mul3A_18 : vector<256x1280xf32>
    %slice3A_20 = vector.extract_strided_slice %get3A_3 {offsets = [0, 2], sizes = [256, 1], strides = [1, 1]} : vector<256x4xf32> to vector<256x1xf32>
    %slice3A_21 = vector.extract_strided_slice %get3A_8 {offsets = [2, 0], sizes = [1, 1280], strides = [1, 1]} : vector<4x1280xf32> to vector<1x1280xf32>
    %sub3A_22 = vector.broadcast %slice3A_20 : vector<256x1xf32> to vector<256x1280xf32>
    %sub3A_23 = vector.broadcast %slice3A_21 : vector<1x1280xf32> to vector<256x1280xf32>
    %sub3A_24 = arith.subf %sub3A_22, %sub3A_23 : vector<256x1280xf32>
    %mul3A_25 = arith.mulf %sub3A_24, %sub3A_24 : vector<256x1280xf32>
    %add3A_26 = arith.addf %add3A_19, %mul3A_25 : vector<256x1280xf32>
    %iota3A = tpu.iota {dimensions = array<i32: 1>} : vector<256x1280xi32>
    %iota3A_27 = tpu.iota {dimensions = array<i32: 0>} : vector<256x1xi32>
    %mul3A_28 = arith.constant 256 : i32
    %mul3A_29 = arith.muli %arg1, %mul3A_28 : i32
    %add3A_30 = vector.broadcast %mul3A_29 : i32 to vector<256x1xi32>
    %add3A_31 = arith.addi %iota3A_27, %add3A_30 : vector<256x1xi32>
    %eq3A = vector.broadcast %add3A_31 : vector<256x1xi32> to vector<256x1280xi32>
    %eq3A_32 = arith.cmpi eq, %iota3A, %eq3A : vector<256x1280xi32>
    %jit3A = arith.constant 0x7F800000 : f32
    %broadcast_in_dim3A_33 = vector.broadcast %jit3A : f32 to vector<256x1280xf32>
    %select_n3A = arith.select %eq3A_32, %broadcast_in_dim3A_33, %add3A_26 : vector<256x1280xi1>, vector<256x1280xf32>
    %argmin3A = tpu.reduce_index %select_n3A {axis = 1 : i32, kind = #tpu.reduction_kind<arg_min>} : vector<256x1280xf32> -> vector<256xi32>
    %broadcast_in_dim3A_34 = vector.shape_cast %argmin3A : vector<256xi32> to vector<256x1xi32>
    %eq3A_35 = vector.broadcast %broadcast_in_dim3A_34 : vector<256x1xi32> to vector<256x1280xi32>
    %eq3A_36 = arith.cmpi eq, %iota3A, %eq3A_35 : vector<256x1280xi32>
    %jit3A_37 = arith.constant 0x7F800000 : f32
    %broadcast_in_dim3A_38 = vector.broadcast %jit3A_37 : f32 to vector<256x1280xf32>
    %select_n3A_39 = arith.select %eq3A_36, %broadcast_in_dim3A_38, %select_n3A : vector<256x1280xi1>, vector<256x1280xf32>
    %argmin3A_40 = tpu.reduce_index %select_n3A_39 {axis = 1 : i32, kind = #tpu.reduction_kind<arg_min>} : vector<256x1280xf32> -> vector<256xi32>
    %broadcast_in_dim3A_41 = vector.shape_cast %argmin3A_40 : vector<256xi32> to vector<256x1xi32>
    %eq3A_42 = vector.broadcast %broadcast_in_dim3A_41 : vector<256x1xi32> to vector<256x1280xi32>
    %eq3A_43 = arith.cmpi eq, %iota3A, %eq3A_42 : vector<256x1280xi32>
    %jit3A_44 = arith.constant 0x7F800000 : f32
    %broadcast_in_dim3A_45 = vector.broadcast %jit3A_44 : f32 to vector<256x1280xf32>
    %select_n3A_46 = arith.select %eq3A_43, %broadcast_in_dim3A_45, %select_n3A_39 : vector<256x1280xi1>, vector<256x1280xf32>
    %argmin3A_47 = tpu.reduce_index %select_n3A_46 {axis = 1 : i32, kind = #tpu.reduction_kind<arg_min>} : vector<256x1280xf32> -> vector<256xi32>
    %broadcast_in_dim3A_48 = vector.shape_cast %argmin3A_47 : vector<256xi32> to vector<256x1xi32>
    %eq3A_49 = vector.broadcast %broadcast_in_dim3A_48 : vector<256x1xi32> to vector<256x1280xi32>
    %eq3A_50 = arith.cmpi eq, %iota3A, %eq3A_49 : vector<256x1280xi32>
    %jit3A_51 = arith.constant 0x7F800000 : f32
    %broadcast_in_dim3A_52 = vector.broadcast %jit3A_51 : f32 to vector<256x1280xf32>
    %select_n3A_53 = arith.select %eq3A_50, %broadcast_in_dim3A_52, %select_n3A_46 : vector<256x1280xi1>, vector<256x1280xf32>
    %argmin3A_54 = tpu.reduce_index %select_n3A_53 {axis = 1 : i32, kind = #tpu.reduction_kind<arg_min>} : vector<256x1280xf32> -> vector<256xi32>
    %broadcast_in_dim3A_55 = vector.shape_cast %argmin3A_54 : vector<256xi32> to vector<256x1xi32>
    %eq3A_56 = vector.broadcast %broadcast_in_dim3A_55 : vector<256x1xi32> to vector<256x1280xi32>
    %eq3A_57 = arith.cmpi eq, %iota3A, %eq3A_56 : vector<256x1280xi32>
    %jit3A_58 = arith.constant 0x7F800000 : f32
    %broadcast_in_dim3A_59 = vector.broadcast %jit3A_58 : f32 to vector<256x1280xf32>
    %select_n3A_60 = arith.select %eq3A_57, %broadcast_in_dim3A_59, %select_n3A_53 : vector<256x1280xi1>, vector<256x1280xf32>
    %argmin3A_61 = tpu.reduce_index %select_n3A_60 {axis = 1 : i32, kind = #tpu.reduction_kind<arg_min>} : vector<256x1280xf32> -> vector<256xi32>
    %broadcast_in_dim3A_62 = vector.shape_cast %argmin3A_61 : vector<256xi32> to vector<256x1xi32>
    %eq3A_63 = vector.broadcast %broadcast_in_dim3A_62 : vector<256x1xi32> to vector<256x1280xi32>
    %eq3A_64 = arith.cmpi eq, %iota3A, %eq3A_63 : vector<256x1280xi32>
    %jit3A_65 = arith.constant 0x7F800000 : f32
    %broadcast_in_dim3A_66 = vector.broadcast %jit3A_65 : f32 to vector<256x1280xf32>
    %select_n3A_67 = arith.select %eq3A_64, %broadcast_in_dim3A_66, %select_n3A_60 : vector<256x1280xi1>, vector<256x1280xf32>
    %argmin3A_68 = tpu.reduce_index %select_n3A_67 {axis = 1 : i32, kind = #tpu.reduction_kind<arg_min>} : vector<256x1280xf32> -> vector<256xi32>
    %broadcast_in_dim3A_69 = vector.shape_cast %argmin3A_68 : vector<256xi32> to vector<256x1xi32>
    %eq3A_70 = vector.broadcast %broadcast_in_dim3A_69 : vector<256x1xi32> to vector<256x1280xi32>
    %eq3A_71 = arith.cmpi eq, %iota3A, %eq3A_70 : vector<256x1280xi32>
    %jit3A_72 = arith.constant 0x7F800000 : f32
    %broadcast_in_dim3A_73 = vector.broadcast %jit3A_72 : f32 to vector<256x1280xf32>
    %select_n3A_74 = arith.select %eq3A_71, %broadcast_in_dim3A_73, %select_n3A_67 : vector<256x1280xi1>, vector<256x1280xf32>
    %argmin3A_75 = tpu.reduce_index %select_n3A_74 {axis = 1 : i32, kind = #tpu.reduction_kind<arg_min>} : vector<256x1280xf32> -> vector<256xi32>
    %broadcast_in_dim3A_76 = vector.shape_cast %argmin3A_75 : vector<256xi32> to vector<256x1xi32>
    %eq3A_77 = vector.broadcast %broadcast_in_dim3A_76 : vector<256x1xi32> to vector<256x1280xi32>
    %eq3A_78 = arith.cmpi eq, %iota3A, %eq3A_77 : vector<256x1280xi32>
    %jit3A_79 = arith.constant 0x7F800000 : f32
    %broadcast_in_dim3A_80 = vector.broadcast %jit3A_79 : f32 to vector<256x1280xf32>
    %select_n3A_81 = arith.select %eq3A_78, %broadcast_in_dim3A_80, %select_n3A_74 : vector<256x1280xi1>, vector<256x1280xf32>
    %argmin3A_82 = tpu.reduce_index %select_n3A_81 {axis = 1 : i32, kind = #tpu.reduction_kind<arg_min>} : vector<256x1280xf32> -> vector<256xi32>
    %broadcast_in_dim3A_83 = vector.shape_cast %argmin3A_82 : vector<256xi32> to vector<256x1xi32>
    %eq3A_84 = vector.broadcast %broadcast_in_dim3A_83 : vector<256x1xi32> to vector<256x1280xi32>
    %eq3A_85 = arith.cmpi eq, %iota3A, %eq3A_84 : vector<256x1280xi32>
    %jit3A_86 = arith.constant 0x7F800000 : f32
    %broadcast_in_dim3A_87 = vector.broadcast %jit3A_86 : f32 to vector<256x1280xf32>
    %select_n3A_88 = arith.select %eq3A_85, %broadcast_in_dim3A_87, %select_n3A_81 : vector<256x1280xi1>, vector<256x1280xf32>
    %argmin3A_89 = tpu.reduce_index %select_n3A_88 {axis = 1 : i32, kind = #tpu.reduction_kind<arg_min>} : vector<256x1280xf32> -> vector<256xi32>
    %broadcast_in_dim3A_90 = vector.shape_cast %argmin3A_89 : vector<256xi32> to vector<256x1xi32>
    %eq3A_91 = vector.broadcast %broadcast_in_dim3A_90 : vector<256x1xi32> to vector<256x1280xi32>
    %eq3A_92 = arith.cmpi eq, %iota3A, %eq3A_91 : vector<256x1280xi32>
    %jit3A_93 = arith.constant 0x7F800000 : f32
    %broadcast_in_dim3A_94 = vector.broadcast %jit3A_93 : f32 to vector<256x1280xf32>
    %select_n3A_95 = arith.select %eq3A_92, %broadcast_in_dim3A_94, %select_n3A_88 : vector<256x1280xi1>, vector<256x1280xf32>
    %argmin3A_96 = tpu.reduce_index %select_n3A_95 {axis = 1 : i32, kind = #tpu.reduction_kind<arg_min>} : vector<256x1280xf32> -> vector<256xi32>
    %broadcast_in_dim3A_97 = vector.shape_cast %argmin3A_96 : vector<256xi32> to vector<256x1xi32>
    %eq3A_98 = vector.broadcast %broadcast_in_dim3A_97 : vector<256x1xi32> to vector<256x1280xi32>
    %eq3A_99 = arith.cmpi eq, %iota3A, %eq3A_98 : vector<256x1280xi32>
    %jit3A_100 = arith.constant 0x7F800000 : f32
    %broadcast_in_dim3A_101 = vector.broadcast %jit3A_100 : f32 to vector<256x1280xf32>
    %select_n3A_102 = arith.select %eq3A_99, %broadcast_in_dim3A_101, %select_n3A_95 : vector<256x1280xi1>, vector<256x1280xf32>
    %argmin3A_103 = tpu.reduce_index %select_n3A_102 {axis = 1 : i32, kind = #tpu.reduction_kind<arg_min>} : vector<256x1280xf32> -> vector<256xi32>
    %broadcast_in_dim3A_104 = vector.shape_cast %argmin3A_103 : vector<256xi32> to vector<256x1xi32>
    %eq3A_105 = vector.broadcast %broadcast_in_dim3A_104 : vector<256x1xi32> to vector<256x1280xi32>
    %eq3A_106 = arith.cmpi eq, %iota3A, %eq3A_105 : vector<256x1280xi32>
    %jit3A_107 = arith.constant 0x7F800000 : f32
    %broadcast_in_dim3A_108 = vector.broadcast %jit3A_107 : f32 to vector<256x1280xf32>
    %select_n3A_109 = arith.select %eq3A_106, %broadcast_in_dim3A_108, %select_n3A_102 : vector<256x1280xi1>, vector<256x1280xf32>
    %argmin3A_110 = tpu.reduce_index %select_n3A_109 {axis = 1 : i32, kind = #tpu.reduction_kind<arg_min>} : vector<256x1280xf32> -> vector<256xi32>
    %broadcast_in_dim3A_111 = vector.shape_cast %argmin3A_110 : vector<256xi32> to vector<256x1xi32>
    %eq3A_112 = vector.broadcast %broadcast_in_dim3A_111 : vector<256x1xi32> to vector<256x1280xi32>
    %eq3A_113 = arith.cmpi eq, %iota3A, %eq3A_112 : vector<256x1280xi32>
    %jit3A_114 = arith.constant 0x7F800000 : f32
    %broadcast_in_dim3A_115 = vector.broadcast %jit3A_114 : f32 to vector<256x1280xf32>
    %select_n3A_116 = arith.select %eq3A_113, %broadcast_in_dim3A_115, %select_n3A_109 : vector<256x1280xi1>, vector<256x1280xf32>
    %argmin3A_117 = tpu.reduce_index %select_n3A_116 {axis = 1 : i32, kind = #tpu.reduction_kind<arg_min>} : vector<256x1280xf32> -> vector<256xi32>
    %broadcast_in_dim3A_118 = vector.shape_cast %argmin3A_117 : vector<256xi32> to vector<256x1xi32>
    %eq3A_119 = vector.broadcast %broadcast_in_dim3A_118 : vector<256x1xi32> to vector<256x1280xi32>
    %eq3A_120 = arith.cmpi eq, %iota3A, %eq3A_119 : vector<256x1280xi32>
    %jit3A_121 = arith.constant 0x7F800000 : f32
    %broadcast_in_dim3A_122 = vector.broadcast %jit3A_121 : f32 to vector<256x1280xf32>
    %select_n3A_123 = arith.select %eq3A_120, %broadcast_in_dim3A_122, %select_n3A_116 : vector<256x1280xi1>, vector<256x1280xf32>
    %argmin3A_124 = tpu.reduce_index %select_n3A_123 {axis = 1 : i32, kind = #tpu.reduction_kind<arg_min>} : vector<256x1280xf32> -> vector<256xi32>
    %broadcast_in_dim3A_125 = vector.shape_cast %argmin3A_124 : vector<256xi32> to vector<256x1xi32>
    %eq3A_126 = vector.broadcast %broadcast_in_dim3A_125 : vector<256x1xi32> to vector<256x1280xi32>
    %eq3A_127 = arith.cmpi eq, %iota3A, %eq3A_126 : vector<256x1280xi32>
    %jit3A_128 = arith.constant 0x7F800000 : f32
    %broadcast_in_dim3A_129 = vector.broadcast %jit3A_128 : f32 to vector<256x1280xf32>
    %select_n3A_130 = arith.select %eq3A_127, %broadcast_in_dim3A_129, %select_n3A_123 : vector<256x1280xi1>, vector<256x1280xf32>
    %argmin3A_131 = tpu.reduce_index %select_n3A_130 {axis = 1 : i32, kind = #tpu.reduction_kind<arg_min>} : vector<256x1280xf32> -> vector<256xi32>
    %broadcast_in_dim3A_132 = vector.shape_cast %argmin3A_131 : vector<256xi32> to vector<256x1xi32>
    %concatenate3A = tpu.concatenate %add3A_31, %broadcast_in_dim3A_34, %broadcast_in_dim3A_41, %broadcast_in_dim3A_48, %broadcast_in_dim3A_55, %broadcast_in_dim3A_62, %broadcast_in_dim3A_69, %broadcast_in_dim3A_76, %broadcast_in_dim3A_83, %broadcast_in_dim3A_90, %broadcast_in_dim3A_97, %broadcast_in_dim3A_104, %broadcast_in_dim3A_111, %broadcast_in_dim3A_118, %broadcast_in_dim3A_125, %broadcast_in_dim3A_132 in 1 : vector<256x1xi32>, vector<256x1xi32>, vector<256x1xi32>, vector<256x1xi32>, vector<256x1xi32>, vector<256x1xi32>, vector<256x1xi32>, vector<256x1xi32>, vector<256x1xi32>, vector<256x1xi32>, vector<256x1xi32>, vector<256x1xi32>, vector<256x1xi32>, vector<256x1xi32>, vector<256x1xi32>, vector<256x1xi32> -> vector<256x16xi32>
    %mul3A_133 = arith.constant 1280 : i32
    %mul3A_134 = arith.muli %arg0, %mul3A_133 : i32
    %add3A_135 = vector.broadcast %mul3A_134 : i32 to vector<256x16xi32>
    %add3A_136 = arith.addi %concatenate3A, %add3A_135 : vector<256x16xi32>
    %swap3A = arith.constant 0 : index
    %swap3A_137 = arith.constant 0 : index
    %swap3A_138 = arith.constant 0 : index
    %swap3A_139 = vector.load %arg4[%swap3A, %swap3A_137, %swap3A_138] : memref<1x256x16xi32, #tpu.memory_space<vmem>>, vector<1x256x16xi32>
    %swap3A_140 = vector.shape_cast %swap3A_139 : vector<1x256x16xi32> to vector<256x16xi32>
    %swap3A_141 = vector.shape_cast %add3A_136 : vector<256x16xi32> to vector<1x256x16xi32>
    tpu.vector_store %arg4[%swap3A, %swap3A_137, %swap3A_138], %swap3A_141 {strides = array<i32>} : memref<1x256x16xi32, #tpu.memory_space<vmem>>, vector<1x256x16xi32>,
    return
  }
  func.func @transform_0(%arg0: i32, %arg1: i32) -> (i32, i32, i32) {
    %c0_i32 = arith.constant 0 : i32
    %c0_i32_0 = arith.constant 0 : i32
    return %arg0, %arg1, %c0_i32 : i32, i32, i32
  }
  func.func @transform_1(%arg0: i32, %arg1: i32) -> (i32, i32, i32) {
    %c0_i32 = arith.constant 0 : i32
    %c0_i32_0 = arith.constant 0 : i32
    %c0_i32_1 = arith.constant 0 : i32
    return %arg0, %c0_i32, %c0_i32_0 : i32, i32, i32
  }
  func.func @transform_2(%arg0: i32, %arg1: i32) -> (i32, i32, i32) {
    %c0_i32 = arith.constant 0 : i32
    %c0_i32_0 = arith.constant 0 : i32
    return %arg0, %arg1, %c0_i32 : i32, i32, i32
  }
}

module attributes {stable_mosaic.version = 14 : i64} {
  func.func @_s3_body(%arg0: i32, %arg1: memref<20480x16xf32, #tpu.memory_space<vmem>>, %arg2: memref<1280x16xf32, #tpu.memory_space<vmem>>, %arg3: memref<1x8xi32, #tpu.memory_space<smem>>, %arg4: memref<32x64xf32, #tpu.memory_space<vmem>>, %arg5: memref<1x64xf32, #tpu.memory_space<vmem>>, %arg6: memref<64x128xf32, #tpu.memory_space<vmem>>, %arg7: memref<1x128xf32, #tpu.memory_space<vmem>>, %arg8: memref<128x256xf32, #tpu.memory_space<vmem>>, %arg9: memref<1x256xf32, #tpu.memory_space<vmem>>, %arg10: memref<256x256xf32, #tpu.memory_space<vmem>>, %arg11: memref<16x256xf32, #tpu.memory_space<vmem>>, %arg12: memref<1x256xf32, #tpu.memory_space<vmem>>, %arg13: memref<256x512xf32, #tpu.memory_space<vmem>>, %arg14: memref<1x512xf32, #tpu.memory_space<vmem>>, %arg15: memref<512x1024xf32, #tpu.memory_space<vmem>>, %arg16: memref<1x1024xf32, #tpu.memory_space<vmem>>, %arg17: memref<8x256xf32, #tpu.memory_space<vmem>>, %arg18: memref<1x1x1024xf32, #tpu.memory_space<vmem>>, %arg19: memref<1280x256xf32, #tpu.memory_space<vmem>>) attributes {dimension_semantics = [#tpu.dimension_semantics<arbitrary>], iteration_bounds = array<i64: 8>, scalar_prefetch = 0 : i64, scratch_operands = 1 : i64, tpu.core_type = #tpu.core_type<tc>, window_params = [{transform_indices = @transform_0, window_bounds = array<i64: 20480, 16>}, {transform_indices = @transform_1, window_bounds = array<i64: 1280, 16>}, {transform_indices = @transform_2, window_bounds = array<i64: 1, 8>}, {pipeline_mode = #tpu.pipeline_mode<synchronous>, transform_indices = @transform_3, window_bounds = array<i64: 32, 64>}, {pipeline_mode = #tpu.pipeline_mode<synchronous>, transform_indices = @transform_4, window_bounds = array<i64: 1, 64>}, {pipeline_mode = #tpu.pipeline_mode<synchronous>, transform_indices = @transform_5, window_bounds = array<i64: 64, 128>}, {pipeline_mode = #tpu.pipeline_mode<synchronous>, transform_indices = @transform_6, window_bounds = array<i64: 1, 128>}, {pipeline_mode = #tpu.pipeline_mode<synchronous>, transform_indices = @transform_7, window_bounds = array<i64: 128, 256>}, {pipeline_mode = #tpu.pipeline_mode<synchronous>, transform_indices = @transform_8, window_bounds = array<i64: 1, 256>}, {pipeline_mode = #tpu.pipeline_mode<synchronous>, transform_indices = @transform_9, window_bounds = array<i64: 256, 256>}, {pipeline_mode = #tpu.pipeline_mode<synchronous>, transform_indices = @transform_10, window_bounds = array<i64: 16, 256>}, {pipeline_mode = #tpu.pipeline_mode<synchronous>, transform_indices = @transform_11, window_bounds = array<i64: 1, 256>}, {pipeline_mode = #tpu.pipeline_mode<synchronous>, transform_indices = @transform_12, window_bounds = array<i64: 256, 512>}, {pipeline_mode = #tpu.pipeline_mode<synchronous>, transform_indices = @transform_13, window_bounds = array<i64: 1, 512>}, {pipeline_mode = #tpu.pipeline_mode<synchronous>, transform_indices = @transform_14, window_bounds = array<i64: 512, 1024>}, {pipeline_mode = #tpu.pipeline_mode<synchronous>, transform_indices = @transform_15, window_bounds = array<i64: 1, 1024>}, {pipeline_mode = #tpu.pipeline_mode<synchronous>, transform_indices = @transform_16, window_bounds = array<i64: 8, 256>}, {transform_indices = @transform_17, window_bounds = array<i64: 1, 1, 1024>}]} {
    %get3A = arith.constant 0 : index
    %get3A_0 = arith.constant 0 : index
    %get3A_1 = vector.load %arg2[%get3A, %get3A_0] : memref<1280x16xf32, #tpu.memory_space<vmem>>, vector<1280x16xf32>
    %get3A_2 = arith.constant 0 : index
    %get3A_3 = arith.constant 0 : index
    %get3A_4 = vector.load %arg1[%get3A_2, %get3A_3] : memref<20480x16xf32, #tpu.memory_space<vmem>>, vector<20480x16xf32>
    %broadcast_in_dim3A = vector.shape_cast %get3A_1 : vector<1280x16xf32> to vector<1280x1x16xf32>
    %broadcast_in_dim3A_5 = vector.shape_cast %broadcast_in_dim3A : vector<1280x1x16xf32> to vector<1280x1x16xf32>
    %broadcast_in_dim3A_6 = vector.broadcast %broadcast_in_dim3A_5 : vector<1280x1x16xf32> to vector<1280x16x16xf32>
    %reshape3A = vector.shape_cast %broadcast_in_dim3A_6 : vector<1280x16x16xf32> to vector<20480x16xf32>
    %sub3A = arith.subf %get3A_4, %reshape3A : vector<20480x16xf32>
    %concatenate3A = tpu.concatenate %get3A_4, %sub3A in 1 : vector<20480x16xf32>, vector<20480x16xf32> -> vector<20480x32xf32>
    %get3A_7 = arith.constant 0 : index
    %get3A_8 = arith.constant 0 : index
    %get3A_9 = vector.load %arg4[%get3A_7, %get3A_8] : memref<32x64xf32, #tpu.memory_space<vmem>>, vector<32x64xf32>
    %dot_general3A = arith.constant dense<0.000000e+00> : vector<20480x64xf32>
    %dot_general3A_10 = tpu.matmul %concatenate3A, %get3A_9, %dot_general3A {dimension_numbers = #tpu.dot_dimension_numbers<[1], [0], [0], [1], [0, 0, 1, 1], [], []>, transpose_lhs_hint = false} : vector<20480x32xf32>, vector<32x64xf32>, vector<20480x64xf32> -> vector<20480x64xf32>
    %get3A_11 = arith.constant 0 : index
    %get3A_12 = arith.constant 0 : index
    %get3A_13 = vector.load %arg5[%get3A_11, %get3A_12] : memref<1x64xf32, #tpu.memory_space<vmem>>, vector<1x64xf32>
    %add3A = vector.broadcast %get3A_13 : vector<1x64xf32> to vector<20480x64xf32>
    %add3A_14 = arith.addf %dot_general3A_10, %add3A : vector<20480x64xf32>
    %max3A = arith.constant 0.000000e+00 : f32
    %max3A_15 = vector.broadcast %max3A : f32 to vector<20480x64xf32>
    %max3A_16 = arith.maximumf %add3A_14, %max3A_15 : vector<20480x64xf32>
    %get3A_17 = arith.constant 0 : index
    %get3A_18 = arith.constant 0 : index
    %get3A_19 = vector.load %arg6[%get3A_17, %get3A_18] : memref<64x128xf32, #tpu.memory_space<vmem>>, vector<64x128xf32>
    %dot_general3A_20 = arith.constant dense<0.000000e+00> : vector<20480x128xf32>
    %dot_general3A_21 = tpu.matmul %max3A_16, %get3A_19, %dot_general3A_20 {dimension_numbers = #tpu.dot_dimension_numbers<[1], [0], [0], [1], [0, 0, 1, 1], [], []>, transpose_lhs_hint = false} : vector<20480x64xf32>, vector<64x128xf32>, vector<20480x128xf32> -> vector<20480x128xf32>
    %get3A_22 = arith.constant 0 : index
    %get3A_23 = arith.constant 0 : index
    %get3A_24 = vector.load %arg7[%get3A_22, %get3A_23] : memref<1x128xf32, #tpu.memory_space<vmem>>, vector<1x128xf32>
    %add3A_25 = vector.broadcast %get3A_24 : vector<1x128xf32> to vector<20480x128xf32>
    %add3A_26 = arith.addf %dot_general3A_21, %add3A_25 : vector<20480x128xf32>
    %max3A_27 = arith.constant 0.000000e+00 : f32
    %max3A_28 = vector.broadcast %max3A_27 : f32 to vector<20480x128xf32>
    %max3A_29 = arith.maximumf %add3A_26, %max3A_28 : vector<20480x128xf32>
    %get3A_30 = arith.constant 0 : index
    %get3A_31 = arith.constant 0 : index
    %get3A_32 = vector.load %arg8[%get3A_30, %get3A_31] : memref<128x256xf32, #tpu.memory_space<vmem>>, vector<128x256xf32>
    %dot_general3A_33 = arith.constant dense<0.000000e+00> : vector<20480x256xf32>
    %dot_general3A_34 = tpu.matmul %max3A_29, %get3A_32, %dot_general3A_33 {dimension_numbers = #tpu.dot_dimension_numbers<[1], [0], [0], [1], [0, 0, 1, 1], [], []>, transpose_lhs_hint = false} : vector<20480x128xf32>, vector<128x256xf32>, vector<20480x256xf32> -> vector<20480x256xf32>
    %reshape3A_35 = vector.shape_cast %dot_general3A_34 : vector<20480x256xf32> to vector<1280x16x256xf32>
    %reduce_max3A = arith.constant dense<0xFF800000> : vector<1280x256xf32>
    %reduce_max3A_36 = vector.multi_reduction <maximumf>, %reshape3A_35, %reduce_max3A [1] : vector<1280x16x256xf32> to vector<1280x256xf32>
    %get3A_37 = arith.constant 0 : index
    %get3A_38 = arith.constant 0 : index
    %get3A_39 = vector.load %arg9[%get3A_37, %get3A_38] : memref<1x256xf32, #tpu.memory_space<vmem>>, vector<1x256xf32>
    %add3A_40 = vector.broadcast %get3A_39 : vector<1x256xf32> to vector<1280x256xf32>
    %add3A_41 = arith.addf %reduce_max3A_36, %add3A_40 : vector<1280x256xf32>
    %get3A_42 = arith.constant 0 : index
    %get3A_43 = arith.constant 0 : index
    %get3A_44 = vector.load %arg10[%get3A_42, %get3A_43] : memref<256x256xf32, #tpu.memory_space<vmem>>, vector<256x256xf32>
    %dot_general3A_45 = arith.constant dense<0.000000e+00> : vector<1280x256xf32>
    %dot_general3A_46 = tpu.matmul %add3A_41, %get3A_44, %dot_general3A_45 {dimension_numbers = #tpu.dot_dimension_numbers<[1], [0], [0], [1], [0, 0, 1, 1], [], []>, transpose_lhs_hint = false} : vector<1280x256xf32>, vector<256x256xf32>, vector<1280x256xf32> -> vector<1280x256xf32>
    %get3A_47 = arith.constant 0 : index
    %get3A_48 = arith.constant 0 : index
    %get3A_49 = vector.load %arg11[%get3A_47, %get3A_48] : memref<16x256xf32, #tpu.memory_space<vmem>>, vector<16x256xf32>
    %dot_general3A_50 = arith.constant dense<0.000000e+00> : vector<1280x256xf32>
    %dot_general3A_51 = tpu.matmul %get3A_1, %get3A_49, %dot_general3A_50 {dimension_numbers = #tpu.dot_dimension_numbers<[1], [0], [0], [1], [0, 0, 1, 1], [], []>, transpose_lhs_hint = false} : vector<1280x16xf32>, vector<16x256xf32>, vector<1280x256xf32> -> vector<1280x256xf32>
    %add3A_52 = arith.addf %dot_general3A_46, %dot_general3A_51 : vector<1280x256xf32>
    %get3A_53 = arith.constant 0 : index
    %get3A_54 = arith.constant 0 : index
    %get3A_55 = vector.load %arg12[%get3A_53, %get3A_54] : memref<1x256xf32, #tpu.memory_space<vmem>>, vector<1x256xf32>
    %add3A_56 = vector.broadcast %get3A_55 : vector<1x256xf32> to vector<1280x256xf32>
    %add3A_57 = arith.addf %add3A_52, %add3A_56 : vector<1280x256xf32>
    %max3A_58 = arith.constant 0.000000e+00 : f32
    %max3A_59 = vector.broadcast %max3A_58 : f32 to vector<1280x256xf32>
    %max3A_60 = arith.maximumf %add3A_57, %max3A_59 : vector<1280x256xf32>
    %get3A_61 = arith.constant 0 : index
    %get3A_62 = arith.constant 0 : index
    %get3A_63 = vector.load %arg13[%get3A_61, %get3A_62] : memref<256x512xf32, #tpu.memory_space<vmem>>, vector<256x512xf32>
    %dot_general3A_64 = arith.constant dense<0.000000e+00> : vector<1280x512xf32>
    %dot_general3A_65 = tpu.matmul %max3A_60, %get3A_63, %dot_general3A_64 {dimension_numbers = #tpu.dot_dimension_numbers<[1], [0], [0], [1], [0, 0, 1, 1], [], []>, transpose_lhs_hint = false} : vector<1280x256xf32>, vector<256x512xf32>, vector<1280x512xf32> -> vector<1280x512xf32>
    %get3A_66 = arith.constant 0 : index
    %get3A_67 = arith.constant 0 : index
    %get3A_68 = vector.load %arg14[%get3A_66, %get3A_67] : memref<1x512xf32, #tpu.memory_space<vmem>>, vector<1x512xf32>
    %add3A_69 = vector.broadcast %get3A_68 : vector<1x512xf32> to vector<1280x512xf32>
    %add3A_70 = arith.addf %dot_general3A_65, %add3A_69 : vector<1280x512xf32>
    %max3A_71 = arith.constant 0.000000e+00 : f32
    %max3A_72 = vector.broadcast %max3A_71 : f32 to vector<1280x512xf32>
    %max3A_73 = arith.maximumf %add3A_70, %max3A_72 : vector<1280x512xf32>
    %get3A_74 = arith.constant 0 : index
    %get3A_75 = arith.constant 0 : index
    %get3A_76 = vector.load %arg15[%get3A_74, %get3A_75] : memref<512x1024xf32, #tpu.memory_space<vmem>>, vector<512x1024xf32>
    %dot_general3A_77 = arith.constant dense<0.000000e+00> : vector<1280x1024xf32>
    %dot_general3A_78 = tpu.matmul %max3A_73, %get3A_76, %dot_general3A_77 {dimension_numbers = #tpu.dot_dimension_numbers<[1], [0], [0], [1], [0, 0, 1, 1], [], []>, transpose_lhs_hint = false} : vector<1280x512xf32>, vector<512x1024xf32>, vector<1280x1024xf32> -> vector<1280x1024xf32>
    %get3A_79 = arith.constant 0 : index
    %get3A_80 = arith.constant 0 : index
    %get3A_81 = vector.load %arg16[%get3A_79, %get3A_80] : memref<1x1024xf32, #tpu.memory_space<vmem>>, vector<1x1024xf32>
    %add3A_82 = vector.broadcast %get3A_81 : vector<1x1024xf32> to vector<1280x1024xf32>
    %add3A_83 = arith.addf %dot_general3A_78, %add3A_82 : vector<1280x1024xf32>
    %iota3A = tpu.iota {dimensions = array<i32: 0>} : vector<1280x1xi32>
    %jit3A = arith.constant 1 : i32
    %eq3A = arith.constant 0 : i32
    %eq3A_84 = arith.cmpi eq, %jit3A, %eq3A : i32
    %jit3A_85 = arith.constant 1 : i32
    %select_n3A = arith.select %eq3A_84, %jit3A_85, %jit3A : i32
    %rem3A = arith.remsi %arg0, %select_n3A : i32
    %ne3A = arith.constant 0 : i32
    %ne3A_86 = arith.cmpi ne, %rem3A, %ne3A : i32
    %lt3A = arith.constant 0 : i32
    %lt3A_87 = arith.cmpi slt, %rem3A, %lt3A : i32
    %lt3A_88 = arith.constant 0 : i32
    %lt3A_89 = arith.cmpi slt, %select_n3A, %lt3A_88 : i32
    %ne3A_90 = arith.xori %lt3A_87, %lt3A_89 : i1
    %and3A = arith.andi %ne3A_90, %ne3A_86 : i1
    %add3A_91 = arith.addi %rem3A, %select_n3A : i32
    %select_n3A_92 = arith.select %and3A, %add3A_91, %rem3A : i32
    %mul3A = arith.constant 1280 : i32
    %mul3A_93 = arith.muli %select_n3A_92, %mul3A : i32
    %add3A_94 = vector.broadcast %mul3A_93 : i32 to vector<1280x1xi32>
    %add3A_95 = arith.addi %iota3A, %add3A_94 : vector<1280x1xi32>
    %ge3A = arith.constant 1250 : i32
    %ge3A_96 = vector.broadcast %ge3A : i32 to vector<1280x1xi32>
    %ge3A_97 = arith.cmpi sge, %add3A_95, %ge3A_96 : vector<1280x1xi32>
    %jit3A_98 = arith.constant -3.000000e+38 : f32
    %broadcast_in_dim3A_99 = vector.shape_cast %ge3A_97 : vector<1280x1xi1> to vector<1280x1xi1>
    %broadcast_in_dim3A_100 = vector.broadcast %broadcast_in_dim3A_99 : vector<1280x1xi1> to vector<1280x1024xi1>
    %broadcast_in_dim3A_101 = vector.broadcast %jit3A_98 : f32 to vector<1280x1024xf32>
    %select_n3A_102 = arith.select %broadcast_in_dim3A_100, %broadcast_in_dim3A_101, %add3A_83 : vector<1280x1024xi1>, vector<1280x1024xf32>
    %reduce_max3A_103 = arith.constant dense<0xFF800000> : vector<1024xf32>
    %reduce_max3A_104 = vector.multi_reduction <maximumf>, %select_n3A_102, %reduce_max3A_103 [0] : vector<1280x1024xf32> to vector<1024xf32>
    %broadcast_in_dim3A_105 = vector.shape_cast %reduce_max3A_104 : vector<1024xf32> to vector<1x1024xf32>
    %jit3A_106 = arith.constant 1 : i32
    %eq3A_107 = arith.constant 0 : i32
    %eq3A_108 = arith.cmpi eq, %jit3A_106, %eq3A_107 : i32
    %jit3A_109 = arith.constant 1 : i32
    %select_n3A_110 = arith.select %eq3A_108, %jit3A_109, %jit3A_106 : i32
    %rem3A_111 = arith.remsi %arg0, %select_n3A_110 : i32
    %ne3A_112 = arith.constant 0 : i32
    %ne3A_113 = arith.cmpi ne, %rem3A_111, %ne3A_112 : i32
    %lt3A_114 = arith.constant 0 : i32
    %lt3A_115 = arith.cmpi slt, %rem3A_111, %lt3A_114 : i32
    %lt3A_116 = arith.constant 0 : i32
    %lt3A_117 = arith.cmpi slt, %select_n3A_110, %lt3A_116 : i32
    %ne3A_118 = arith.xori %lt3A_115, %lt3A_117 : i1
    %and3A_119 = arith.andi %ne3A_118, %ne3A_113 : i1
    %add3A_120 = arith.addi %rem3A_111, %select_n3A_110 : i32
    %select_n3A_121 = arith.select %and3A_119, %add3A_120, %rem3A_111 : i32
    %eq3A_122 = arith.constant 0 : i32
    %eq3A_123 = arith.cmpi eq, %select_n3A_121, %eq3A_122 : i32
    %convert_element_type3A = arith.extui %eq3A_123 : i1 to i32
    %cond3A = arith.constant 0 : i32
    %cond3A_124 = arith.cmpi ne, %convert_element_type3A, %cond3A : i32
    scf.if %cond3A_124 {
      %broadcast_in_dim3A_254 = arith.constant -3.000000e+38 : f32
      %broadcast_in_dim3A_255 = vector.broadcast %broadcast_in_dim3A_254 : f32 to vector<1x1x1024xf32>
      %swap3A_256 = arith.constant 0 : index
      %swap3A_257 = arith.constant 0 : index
      %swap3A_258 = arith.constant 0 : index
      %swap3A_259 = vector.load %arg18[%swap3A_256, %swap3A_257, %swap3A_258] : memref<1x1x1024xf32, #tpu.memory_space<vmem>>, vector<1x1x1024xf32>
      tpu.vector_store %arg18[%swap3A_256, %swap3A_257, %swap3A_258], %broadcast_in_dim3A_255 {strides = array<i32>} : memref<1x1x1024xf32, #tpu.memory_space<vmem>>, vector<1x1x1024xf32>,
    } else {
    }
    %get3A_125 = arith.constant 0 : index
    %get3A_126 = arith.constant 0 : index
    %get3A_127 = arith.constant 0 : index
    %get3A_128 = vector.load %arg18[%get3A_125, %get3A_126, %get3A_127] : memref<1x1x1024xf32, #tpu.memory_space<vmem>>, vector<1x1x1024xf32>
    %broadcast_in_dim3A_129 = vector.shape_cast %broadcast_in_dim3A_105 : vector<1x1024xf32> to vector<1x1x1024xf32>
    %max3A_130 = arith.maximumf %get3A_128, %broadcast_in_dim3A_129 : vector<1x1x1024xf32>
    %swap3A = arith.constant 0 : index
    %swap3A_131 = arith.constant 0 : index
    %swap3A_132 = arith.constant 0 : index
    %swap3A_133 = vector.load %arg18[%swap3A, %swap3A_131, %swap3A_132] : memref<1x1x1024xf32, #tpu.memory_space<vmem>>, vector<1x1x1024xf32>
    tpu.vector_store %arg18[%swap3A, %swap3A_131, %swap3A_132], %max3A_130 {strides = array<i32>} : memref<1x1x1024xf32, #tpu.memory_space<vmem>>, vector<1x1x1024xf32>,
    %eq3A_134 = arith.constant 0 : i32
    %eq3A_135 = arith.cmpi eq, %arg0, %eq3A_134 : i32
    %convert_element_type3A_136 = arith.extui %eq3A_135 : i1 to i32
    %cond3A_137 = arith.constant 0 : i32
    %cond3A_138 = arith.cmpi ne, %convert_element_type3A_136, %cond3A_137 : i32
    scf.if %cond3A_138 {
      %broadcast_in_dim3A_254 = arith.constant 0.000000e+00 : f32
      %broadcast_in_dim3A_255 = vector.broadcast %broadcast_in_dim3A_254 : f32 to vector<8x256xf32>
      %swap3A_256 = arith.constant 0 : index
      %swap3A_257 = arith.constant 0 : index
      %swap3A_258 = vector.load %arg17[%swap3A_256, %swap3A_257] : memref<8x256xf32, #tpu.memory_space<vmem>>, vector<8x256xf32>
      tpu.vector_store %arg17[%swap3A_256, %swap3A_257], %broadcast_in_dim3A_255 {strides = array<i32>} : memref<8x256xf32, #tpu.memory_space<vmem>>, vector<8x256xf32>,
    } else {
    }
    %swap3A_139 = arith.constant 0 : index
    %swap3A_140 = arith.constant 0 : index
    %swap3A_141 = vector.load %arg19[%swap3A_139, %swap3A_140] : memref<1280x256xf32, #tpu.memory_space<vmem>>, vector<1280x256xf32>
    tpu.vector_store %arg19[%swap3A_139, %swap3A_140], %add3A_41 {strides = array<i32>} : memref<1280x256xf32, #tpu.memory_space<vmem>>, vector<1280x256xf32>,
    %get3A_142 = arith.constant 0 : index
    %get3A_143 = arith.constant 0 : index
    %get3A_144 = memref.load %arg3[%get3A_142, %get3A_143] : memref<1x8xi32, #tpu.memory_space<smem>>
    %mul3A_145 = arith.constant 1280 : i32
    %mul3A_146 = arith.muli %arg0, %mul3A_145 : i32
    %sub3A_147 = arith.subi %get3A_144, %mul3A_146 : i32
    %ge3A_148 = arith.constant 0 : i32
    %ge3A_149 = arith.cmpi sge, %sub3A_147, %ge3A_148 : i32
    %lt3A_150 = arith.constant 1280 : i32
    %lt3A_151 = arith.cmpi slt, %sub3A_147, %lt3A_150 : i32
    %and3A_152 = arith.andi %ge3A_149, %lt3A_151 : i1
    %convert_element_type3A_153 = arith.extui %and3A_152 : i1 to i32
    %cond3A_154 = arith.constant 0 : i32
    %cond3A_155 = arith.cmpi ne, %convert_element_type3A_153, %cond3A_154 : i32
    scf.if %cond3A_155 {
      %get3A_254 = arith.index_cast %sub3A_147 : i32 to index
      %get3A_255 = arith.constant 0 : index
      %get3A_256 = vector.load %arg19[%get3A_254, %get3A_255] : memref<1280x256xf32, #tpu.memory_space<vmem>>, vector<1x256xf32>
      %swap3A_257 = arith.constant 0 : index
      %swap3A_258 = arith.constant 0 : index
      %swap3A_259 = vector.load %arg17[%swap3A_257, %swap3A_258] : memref<8x256xf32, #tpu.memory_space<vmem>>, vector<1x256xf32>
      tpu.vector_store %arg17[%swap3A_257, %swap3A_258], %get3A_256 {strides = array<i32>} : memref<8x256xf32, #tpu.memory_space<vmem>>, vector<1x256xf32>,
    } else {
    }
    %get3A_156 = arith.constant 0 : index
    %get3A_157 = arith.constant 1 : index
    %get3A_158 = memref.load %arg3[%get3A_156, %get3A_157] : memref<1x8xi32, #tpu.memory_space<smem>>
    %mul3A_159 = arith.constant 1280 : i32
    %mul3A_160 = arith.muli %arg0, %mul3A_159 : i32
    %sub3A_161 = arith.subi %get3A_158, %mul3A_160 : i32
    %ge3A_162 = arith.constant 0 : i32
    %ge3A_163 = arith.cmpi sge, %sub3A_161, %ge3A_162 : i32
    %lt3A_164 = arith.constant 1280 : i32
    %lt3A_165 = arith.cmpi slt, %sub3A_161, %lt3A_164 : i32
    %and3A_166 = arith.andi %ge3A_163, %lt3A_165 : i1
    %convert_element_type3A_167 = arith.extui %and3A_166 : i1 to i32
    %cond3A_168 = arith.constant 0 : i32
    %cond3A_169 = arith.cmpi ne, %convert_element_type3A_167, %cond3A_168 : i32
    scf.if %cond3A_169 {
      %get3A_254 = arith.index_cast %sub3A_161 : i32 to index
      %get3A_255 = arith.constant 0 : index
      %get3A_256 = vector.load %arg19[%get3A_254, %get3A_255] : memref<1280x256xf32, #tpu.memory_space<vmem>>, vector<1x256xf32>
      %swap3A_257 = arith.constant 1 : index
      %swap3A_258 = arith.constant 0 : index
      %swap3A_259 = vector.load %arg17[%swap3A_257, %swap3A_258] : memref<8x256xf32, #tpu.memory_space<vmem>>, vector<1x256xf32>
      tpu.vector_store %arg17[%swap3A_257, %swap3A_258], %get3A_256 {strides = array<i32>} : memref<8x256xf32, #tpu.memory_space<vmem>>, vector<1x256xf32>,
    } else {
    }
    %get3A_170 = arith.constant 0 : index
    %get3A_171 = arith.constant 2 : index
    %get3A_172 = memref.load %arg3[%get3A_170, %get3A_171] : memref<1x8xi32, #tpu.memory_space<smem>>
    %mul3A_173 = arith.constant 1280 : i32
    %mul3A_174 = arith.muli %arg0, %mul3A_173 : i32
    %sub3A_175 = arith.subi %get3A_172, %mul3A_174 : i32
    %ge3A_176 = arith.constant 0 : i32
    %ge3A_177 = arith.cmpi sge, %sub3A_175, %ge3A_176 : i32
    %lt3A_178 = arith.constant 1280 : i32
    %lt3A_179 = arith.cmpi slt, %sub3A_175, %lt3A_178 : i32
    %and3A_180 = arith.andi %ge3A_177, %lt3A_179 : i1
    %convert_element_type3A_181 = arith.extui %and3A_180 : i1 to i32
    %cond3A_182 = arith.constant 0 : i32
    %cond3A_183 = arith.cmpi ne, %convert_element_type3A_181, %cond3A_182 : i32
    scf.if %cond3A_183 {
      %get3A_254 = arith.index_cast %sub3A_175 : i32 to index
      %get3A_255 = arith.constant 0 : index
      %get3A_256 = vector.load %arg19[%get3A_254, %get3A_255] : memref<1280x256xf32, #tpu.memory_space<vmem>>, vector<1x256xf32>
      %swap3A_257 = arith.constant 2 : index
      %swap3A_258 = arith.constant 0 : index
      %swap3A_259 = vector.load %arg17[%swap3A_257, %swap3A_258] : memref<8x256xf32, #tpu.memory_space<vmem>>, vector<1x256xf32>
      tpu.vector_store %arg17[%swap3A_257, %swap3A_258], %get3A_256 {strides = array<i32>} : memref<8x256xf32, #tpu.memory_space<vmem>>, vector<1x256xf32>,
    } else {
    }
    %get3A_184 = arith.constant 0 : index
    %get3A_185 = arith.constant 3 : index
    %get3A_186 = memref.load %arg3[%get3A_184, %get3A_185] : memref<1x8xi32, #tpu.memory_space<smem>>
    %mul3A_187 = arith.constant 1280 : i32
    %mul3A_188 = arith.muli %arg0, %mul3A_187 : i32
    %sub3A_189 = arith.subi %get3A_186, %mul3A_188 : i32
    %ge3A_190 = arith.constant 0 : i32
    %ge3A_191 = arith.cmpi sge, %sub3A_189, %ge3A_190 : i32
    %lt3A_192 = arith.constant 1280 : i32
    %lt3A_193 = arith.cmpi slt, %sub3A_189, %lt3A_192 : i32
    %and3A_194 = arith.andi %ge3A_191, %lt3A_193 : i1
    %convert_element_type3A_195 = arith.extui %and3A_194 : i1 to i32
    %cond3A_196 = arith.constant 0 : i32
    %cond3A_197 = arith.cmpi ne, %convert_element_type3A_195, %cond3A_196 : i32
    scf.if %cond3A_197 {
      %get3A_254 = arith.index_cast %sub3A_189 : i32 to index
      %get3A_255 = arith.constant 0 : index
      %get3A_256 = vector.load %arg19[%get3A_254, %get3A_255] : memref<1280x256xf32, #tpu.memory_space<vmem>>, vector<1x256xf32>
      %swap3A_257 = arith.constant 3 : index
      %swap3A_258 = arith.constant 0 : index
      %swap3A_259 = vector.load %arg17[%swap3A_257, %swap3A_258] : memref<8x256xf32, #tpu.memory_space<vmem>>, vector<1x256xf32>
      tpu.vector_store %arg17[%swap3A_257, %swap3A_258], %get3A_256 {strides = array<i32>} : memref<8x256xf32, #tpu.memory_space<vmem>>, vector<1x256xf32>,
    } else {
    }
    %get3A_198 = arith.constant 0 : index
    %get3A_199 = arith.constant 4 : index
    %get3A_200 = memref.load %arg3[%get3A_198, %get3A_199] : memref<1x8xi32, #tpu.memory_space<smem>>
    %mul3A_201 = arith.constant 1280 : i32
    %mul3A_202 = arith.muli %arg0, %mul3A_201 : i32
    %sub3A_203 = arith.subi %get3A_200, %mul3A_202 : i32
    %ge3A_204 = arith.constant 0 : i32
    %ge3A_205 = arith.cmpi sge, %sub3A_203, %ge3A_204 : i32
    %lt3A_206 = arith.constant 1280 : i32
    %lt3A_207 = arith.cmpi slt, %sub3A_203, %lt3A_206 : i32
    %and3A_208 = arith.andi %ge3A_205, %lt3A_207 : i1
    %convert_element_type3A_209 = arith.extui %and3A_208 : i1 to i32
    %cond3A_210 = arith.constant 0 : i32
    %cond3A_211 = arith.cmpi ne, %convert_element_type3A_209, %cond3A_210 : i32
    scf.if %cond3A_211 {
      %get3A_254 = arith.index_cast %sub3A_203 : i32 to index
      %get3A_255 = arith.constant 0 : index
      %get3A_256 = vector.load %arg19[%get3A_254, %get3A_255] : memref<1280x256xf32, #tpu.memory_space<vmem>>, vector<1x256xf32>
      %swap3A_257 = arith.constant 4 : index
      %swap3A_258 = arith.constant 0 : index
      %swap3A_259 = vector.load %arg17[%swap3A_257, %swap3A_258] : memref<8x256xf32, #tpu.memory_space<vmem>>, vector<1x256xf32>
      tpu.vector_store %arg17[%swap3A_257, %swap3A_258], %get3A_256 {strides = array<i32>} : memref<8x256xf32, #tpu.memory_space<vmem>>, vector<1x256xf32>,
    } else {
    }
    %get3A_212 = arith.constant 0 : index
    %get3A_213 = arith.constant 5 : index
    %get3A_214 = memref.load %arg3[%get3A_212, %get3A_213] : memref<1x8xi32, #tpu.memory_space<smem>>
    %mul3A_215 = arith.constant 1280 : i32
    %mul3A_216 = arith.muli %arg0, %mul3A_215 : i32
    %sub3A_217 = arith.subi %get3A_214, %mul3A_216 : i32
    %ge3A_218 = arith.constant 0 : i32
    %ge3A_219 = arith.cmpi sge, %sub3A_217, %ge3A_218 : i32
    %lt3A_220 = arith.constant 1280 : i32
    %lt3A_221 = arith.cmpi slt, %sub3A_217, %lt3A_220 : i32
    %and3A_222 = arith.andi %ge3A_219, %lt3A_221 : i1
    %convert_element_type3A_223 = arith.extui %and3A_222 : i1 to i32
    %cond3A_224 = arith.constant 0 : i32
    %cond3A_225 = arith.cmpi ne, %convert_element_type3A_223, %cond3A_224 : i32
    scf.if %cond3A_225 {
      %get3A_254 = arith.index_cast %sub3A_217 : i32 to index
      %get3A_255 = arith.constant 0 : index
      %get3A_256 = vector.load %arg19[%get3A_254, %get3A_255] : memref<1280x256xf32, #tpu.memory_space<vmem>>, vector<1x256xf32>
      %swap3A_257 = arith.constant 5 : index
      %swap3A_258 = arith.constant 0 : index
      %swap3A_259 = vector.load %arg17[%swap3A_257, %swap3A_258] : memref<8x256xf32, #tpu.memory_space<vmem>>, vector<1x256xf32>
      tpu.vector_store %arg17[%swap3A_257, %swap3A_258], %get3A_256 {strides = array<i32>} : memref<8x256xf32, #tpu.memory_space<vmem>>, vector<1x256xf32>,
    } else {
    }
    %get3A_226 = arith.constant 0 : index
    %get3A_227 = arith.constant 6 : index
    %get3A_228 = memref.load %arg3[%get3A_226, %get3A_227] : memref<1x8xi32, #tpu.memory_space<smem>>
    %mul3A_229 = arith.constant 1280 : i32
    %mul3A_230 = arith.muli %arg0, %mul3A_229 : i32
    %sub3A_231 = arith.subi %get3A_228, %mul3A_230 : i32
    %ge3A_232 = arith.constant 0 : i32
    %ge3A_233 = arith.cmpi sge, %sub3A_231, %ge3A_232 : i32
    %lt3A_234 = arith.constant 1280 : i32
    %lt3A_235 = arith.cmpi slt, %sub3A_231, %lt3A_234 : i32
    %and3A_236 = arith.andi %ge3A_233, %lt3A_235 : i1
    %convert_element_type3A_237 = arith.extui %and3A_236 : i1 to i32
    %cond3A_238 = arith.constant 0 : i32
    %cond3A_239 = arith.cmpi ne, %convert_element_type3A_237, %cond3A_238 : i32
    scf.if %cond3A_239 {
      %get3A_254 = arith.index_cast %sub3A_231 : i32 to index
      %get3A_255 = arith.constant 0 : index
      %get3A_256 = vector.load %arg19[%get3A_254, %get3A_255] : memref<1280x256xf32, #tpu.memory_space<vmem>>, vector<1x256xf32>
      %swap3A_257 = arith.constant 6 : index
      %swap3A_258 = arith.constant 0 : index
      %swap3A_259 = vector.load %arg17[%swap3A_257, %swap3A_258] : memref<8x256xf32, #tpu.memory_space<vmem>>, vector<1x256xf32>
      tpu.vector_store %arg17[%swap3A_257, %swap3A_258], %get3A_256 {strides = array<i32>} : memref<8x256xf32, #tpu.memory_space<vmem>>, vector<1x256xf32>,
    } else {
    }
    %get3A_240 = arith.constant 0 : index
    %get3A_241 = arith.constant 7 : index
    %get3A_242 = memref.load %arg3[%get3A_240, %get3A_241] : memref<1x8xi32, #tpu.memory_space<smem>>
    %mul3A_243 = arith.constant 1280 : i32
    %mul3A_244 = arith.muli %arg0, %mul3A_243 : i32
    %sub3A_245 = arith.subi %get3A_242, %mul3A_244 : i32
    %ge3A_246 = arith.constant 0 : i32
    %ge3A_247 = arith.cmpi sge, %sub3A_245, %ge3A_246 : i32
    %lt3A_248 = arith.constant 1280 : i32
    %lt3A_249 = arith.cmpi slt, %sub3A_245, %lt3A_248 : i32
    %and3A_250 = arith.andi %ge3A_247, %lt3A_249 : i1
    %convert_element_type3A_251 = arith.extui %and3A_250 : i1 to i32
    %cond3A_252 = arith.constant 0 : i32
    %cond3A_253 = arith.cmpi ne, %convert_element_type3A_251, %cond3A_252 : i32
    scf.if %cond3A_253 {
      %get3A_254 = arith.index_cast %sub3A_245 : i32 to index
      %get3A_255 = arith.constant 0 : index
      %get3A_256 = vector.load %arg19[%get3A_254, %get3A_255] : memref<1280x256xf32, #tpu.memory_space<vmem>>, vector<1x256xf32>
      %swap3A_257 = arith.constant 7 : index
      %swap3A_258 = arith.constant 0 : index
      %swap3A_259 = vector.load %arg17[%swap3A_257, %swap3A_258] : memref<8x256xf32, #tpu.memory_space<vmem>>, vector<1x256xf32>
      tpu.vector_store %arg17[%swap3A_257, %swap3A_258], %get3A_256 {strides = array<i32>} : memref<8x256xf32, #tpu.memory_space<vmem>>, vector<1x256xf32>,
    } else {
    }
    return
  }
  func.func @transform_0(%arg0: i32) -> (i32, i32) {
    %c0_i32 = arith.constant 0 : i32
    %c0_i32_0 = arith.constant 0 : i32
    return %arg0, %c0_i32 : i32, i32
  }
  func.func @transform_1(%arg0: i32) -> (i32, i32) {
    %c0_i32 = arith.constant 0 : i32
    %c0_i32_0 = arith.constant 0 : i32
    return %arg0, %c0_i32 : i32, i32
  }
  func.func @transform_2(%arg0: i32) -> (i32, i32) {
    %c0_i32 = arith.constant 0 : i32
    %c0_i32_0 = arith.constant 0 : i32
    %c0_i32_1 = arith.constant 0 : i32
    return %c0_i32, %c0_i32_0 : i32, i32
  }
  func.func @transform_3(%arg0: i32) -> (i32, i32) {
    %c0_i32 = arith.constant 0 : i32
    %c0_i32_0 = arith.constant 0 : i32
    %c0_i32_1 = arith.constant 0 : i32
    return %c0_i32, %c0_i32_0 : i32, i32
  }
  func.func @transform_4(%arg0: i32) -> (i32, i32) {
    %c0_i32 = arith.constant 0 : i32
    %c0_i32_0 = arith.constant 0 : i32
    %c0_i32_1 = arith.constant 0 : i32
    return %c0_i32, %c0_i32_0 : i32, i32
  }
  func.func @transform_5(%arg0: i32) -> (i32, i32) {
    %c0_i32 = arith.constant 0 : i32
    %c0_i32_0 = arith.constant 0 : i32
    %c0_i32_1 = arith.constant 0 : i32
    return %c0_i32, %c0_i32_0 : i32, i32
  }
  func.func @transform_6(%arg0: i32) -> (i32, i32) {
    %c0_i32 = arith.constant 0 : i32
    %c0_i32_0 = arith.constant 0 : i32
    %c0_i32_1 = arith.constant 0 : i32
    return %c0_i32, %c0_i32_0 : i32, i32
  }
  func.func @transform_7(%arg0: i32) -> (i32, i32) {
    %c0_i32 = arith.constant 0 : i32
    %c0_i32_0 = arith.constant 0 : i32
    %c0_i32_1 = arith.constant 0 : i32
    return %c0_i32, %c0_i32_0 : i32, i32
  }
  func.func @transform_8(%arg0: i32) -> (i32, i32) {
    %c0_i32 = arith.constant 0 : i32
    %c0_i32_0 = arith.constant 0 : i32
    %c0_i32_1 = arith.constant 0 : i32
    return %c0_i32, %c0_i32_0 : i32, i32
  }
  func.func @transform_9(%arg0: i32) -> (i32, i32) {
    %c0_i32 = arith.constant 0 : i32
    %c0_i32_0 = arith.constant 0 : i32
    %c0_i32_1 = arith.constant 0 : i32
    return %c0_i32, %c0_i32_0 : i32, i32
  }
  func.func @transform_10(%arg0: i32) -> (i32, i32) {
    %c0_i32 = arith.constant 0 : i32
    %c0_i32_0 = arith.constant 0 : i32
    %c0_i32_1 = arith.constant 0 : i32
    return %c0_i32, %c0_i32_0 : i32, i32
  }
  func.func @transform_11(%arg0: i32) -> (i32, i32) {
    %c0_i32 = arith.constant 0 : i32
    %c0_i32_0 = arith.constant 0 : i32
    %c0_i32_1 = arith.constant 0 : i32
    return %c0_i32, %c0_i32_0 : i32, i32
  }
  func.func @transform_12(%arg0: i32) -> (i32, i32) {
    %c0_i32 = arith.constant 0 : i32
    %c0_i32_0 = arith.constant 0 : i32
    %c0_i32_1 = arith.constant 0 : i32
    return %c0_i32, %c0_i32_0 : i32, i32
  }
  func.func @transform_13(%arg0: i32) -> (i32, i32) {
    %c0_i32 = arith.constant 0 : i32
    %c0_i32_0 = arith.constant 0 : i32
    %c0_i32_1 = arith.constant 0 : i32
    return %c0_i32, %c0_i32_0 : i32, i32
  }
  func.func @transform_14(%arg0: i32) -> (i32, i32) {
    %c0_i32 = arith.constant 0 : i32
    %c0_i32_0 = arith.constant 0 : i32
    %c0_i32_1 = arith.constant 0 : i32
    return %c0_i32, %c0_i32_0 : i32, i32
  }
  func.func @transform_15(%arg0: i32) -> (i32, i32) {
    %c0_i32 = arith.constant 0 : i32
    %c0_i32_0 = arith.constant 0 : i32
    %c0_i32_1 = arith.constant 0 : i32
    return %c0_i32, %c0_i32_0 : i32, i32
  }
  func.func @transform_16(%arg0: i32) -> (i32, i32) {
    %c0_i32 = arith.constant 0 : i32
    %c0_i32_0 = arith.constant 0 : i32
    %c0_i32_1 = arith.constant 0 : i32
    return %c0_i32, %c0_i32_0 : i32, i32
  }
  func.func @transform_17(%arg0: i32) -> (i32, i32, i32) {
    %jit3A = arith.constant 1 : i32
    %div3A = arith.divsi %arg0, %jit3A : i32
    %sign3A = arith.constant 0 : i32
    %sign3A_0 = arith.cmpi sgt, %arg0, %sign3A : i32
    %sign3A_1 = arith.extui %sign3A_0 : i1 to i32
    %sign3A_2 = arith.constant 0 : i32
    %sign3A_3 = arith.cmpi slt, %arg0, %sign3A_2 : i32
    %sign3A_4 = arith.extui %sign3A_3 : i1 to i32
    %sign3A_5 = arith.subi %sign3A_1, %sign3A_4 : i32
    %sign3A_6 = arith.constant 0 : i32
    %sign3A_7 = arith.cmpi sgt, %jit3A, %sign3A_6 : i32
    %sign3A_8 = arith.extui %sign3A_7 : i1 to i32
    %sign3A_9 = arith.constant 0 : i32
    %sign3A_10 = arith.cmpi slt, %jit3A, %sign3A_9 : i32
    %sign3A_11 = arith.extui %sign3A_10 : i1 to i32
    %sign3A_12 = arith.subi %sign3A_8, %sign3A_11 : i32
    %ne3A = arith.cmpi ne, %sign3A_5, %sign3A_12 : i32
    %rem3A = arith.remsi %arg0, %jit3A : i32
    %ne3A_13 = arith.constant 0 : i32
    %ne3A_14 = arith.cmpi ne, %rem3A, %ne3A_13 : i32
    %and3A = arith.andi %ne3A, %ne3A_14 : i1
    %sub3A = arith.constant 1 : i32
    %sub3A_15 = arith.subi %div3A, %sub3A : i32
    %select_n3A = arith.select %and3A, %sub3A_15, %div3A : i32
    %c0_i32 = arith.constant 0 : i32
    %c0_i32_16 = arith.constant 0 : i32
    %c0_i32_17 = arith.constant 0 : i32
    return %select_n3A, %c0_i32, %c0_i32_16 : i32, i32, i32
  }
}

module attributes {stable_mosaic.version = 14 : i64} {
  func.func @_s4_body(%arg0: memref<8x256xf32, #tpu.memory_space<vmem>>, %arg1: memref<8x1024xf32, #tpu.memory_space<vmem>>, %arg2: memref<256x512xf32, #tpu.memory_space<vmem>>, %arg3: memref<1024x512xf32, #tpu.memory_space<vmem>>, %arg4: memref<1x512xf32, #tpu.memory_space<vmem>>, %arg5: memref<512x256xf32, #tpu.memory_space<vmem>>, %arg6: memref<1x256xf32, #tpu.memory_space<vmem>>, %arg7: memref<256x16xf32, #tpu.memory_space<vmem>>, %arg8: memref<1x16xf32, #tpu.memory_space<vmem>>, %arg9: memref<8x16xf32, #tpu.memory_space<vmem>>) attributes {dimension_semantics = [], scalar_prefetch = 0 : i64, scratch_operands = 0 : i64, tpu.core_type = #tpu.core_type<tc>} {
    %get3A = arith.constant 0 : index
    %get3A_0 = arith.constant 0 : index
    %get3A_1 = vector.load %arg0[%get3A, %get3A_0] : memref<8x256xf32, #tpu.memory_space<vmem>>, vector<8x256xf32>
    %get3A_2 = arith.constant 0 : index
    %get3A_3 = arith.constant 0 : index
    %get3A_4 = vector.load %arg2[%get3A_2, %get3A_3] : memref<256x512xf32, #tpu.memory_space<vmem>>, vector<256x512xf32>
    %dot_general3A = arith.constant dense<0.000000e+00> : vector<8x512xf32>
    %dot_general3A_5 = tpu.matmul %get3A_1, %get3A_4, %dot_general3A {dimension_numbers = #tpu.dot_dimension_numbers<[1], [0], [0], [1], [0, 0, 1, 1], [], []>, transpose_lhs_hint = false} : vector<8x256xf32>, vector<256x512xf32>, vector<8x512xf32> -> vector<8x512xf32>
    %get3A_6 = arith.constant 0 : index
    %get3A_7 = arith.constant 0 : index
    %get3A_8 = vector.load %arg1[%get3A_6, %get3A_7] : memref<8x1024xf32, #tpu.memory_space<vmem>>, vector<8x1024xf32>
    %get3A_9 = arith.constant 0 : index
    %get3A_10 = arith.constant 0 : index
    %get3A_11 = vector.load %arg3[%get3A_9, %get3A_10] : memref<1024x512xf32, #tpu.memory_space<vmem>>, vector<1024x512xf32>
    %dot_general3A_12 = arith.constant dense<0.000000e+00> : vector<8x512xf32>
    %dot_general3A_13 = tpu.matmul %get3A_8, %get3A_11, %dot_general3A_12 {dimension_numbers = #tpu.dot_dimension_numbers<[1], [0], [0], [1], [0, 0, 1, 1], [], []>, transpose_lhs_hint = false} : vector<8x1024xf32>, vector<1024x512xf32>, vector<8x512xf32> -> vector<8x512xf32>
    %add3A = arith.addf %dot_general3A_5, %dot_general3A_13 : vector<8x512xf32>
    %get3A_14 = arith.constant 0 : index
    %get3A_15 = arith.constant 0 : index
    %get3A_16 = vector.load %arg4[%get3A_14, %get3A_15] : memref<1x512xf32, #tpu.memory_space<vmem>>, vector<1x512xf32>
    %add3A_17 = vector.broadcast %get3A_16 : vector<1x512xf32> to vector<8x512xf32>
    %add3A_18 = arith.addf %add3A, %add3A_17 : vector<8x512xf32>
    %max3A = arith.constant 0.000000e+00 : f32
    %max3A_19 = vector.broadcast %max3A : f32 to vector<8x512xf32>
    %max3A_20 = arith.maximumf %add3A_18, %max3A_19 : vector<8x512xf32>
    %get3A_21 = arith.constant 0 : index
    %get3A_22 = arith.constant 0 : index
    %get3A_23 = vector.load %arg5[%get3A_21, %get3A_22] : memref<512x256xf32, #tpu.memory_space<vmem>>, vector<512x256xf32>
    %dot_general3A_24 = arith.constant dense<0.000000e+00> : vector<8x256xf32>
    %dot_general3A_25 = tpu.matmul %max3A_20, %get3A_23, %dot_general3A_24 {dimension_numbers = #tpu.dot_dimension_numbers<[1], [0], [0], [1], [0, 0, 1, 1], [], []>, transpose_lhs_hint = false} : vector<8x512xf32>, vector<512x256xf32>, vector<8x256xf32> -> vector<8x256xf32>
    %get3A_26 = arith.constant 0 : index
    %get3A_27 = arith.constant 0 : index
    %get3A_28 = vector.load %arg6[%get3A_26, %get3A_27] : memref<1x256xf32, #tpu.memory_space<vmem>>, vector<1x256xf32>
    %add3A_29 = vector.broadcast %get3A_28 : vector<1x256xf32> to vector<8x256xf32>
    %add3A_30 = arith.addf %dot_general3A_25, %add3A_29 : vector<8x256xf32>
    %max3A_31 = arith.constant 0.000000e+00 : f32
    %max3A_32 = vector.broadcast %max3A_31 : f32 to vector<8x256xf32>
    %max3A_33 = arith.maximumf %add3A_30, %max3A_32 : vector<8x256xf32>
    %get3A_34 = arith.constant 0 : index
    %get3A_35 = arith.constant 0 : index
    %get3A_36 = vector.load %arg7[%get3A_34, %get3A_35] : memref<256x16xf32, #tpu.memory_space<vmem>>, vector<256x16xf32>
    %dot_general3A_37 = arith.constant dense<0.000000e+00> : vector<8x16xf32>
    %dot_general3A_38 = tpu.matmul %max3A_33, %get3A_36, %dot_general3A_37 {dimension_numbers = #tpu.dot_dimension_numbers<[1], [0], [0], [1], [0, 0, 1, 1], [], []>, transpose_lhs_hint = false} : vector<8x256xf32>, vector<256x16xf32>, vector<8x16xf32> -> vector<8x16xf32>
    %get3A_39 = arith.constant 0 : index
    %get3A_40 = arith.constant 0 : index
    %get3A_41 = vector.load %arg8[%get3A_39, %get3A_40] : memref<1x16xf32, #tpu.memory_space<vmem>>, vector<1x16xf32>
    %add3A_42 = vector.broadcast %get3A_41 : vector<1x16xf32> to vector<8x16xf32>
    %add3A_43 = arith.addf %dot_general3A_38, %add3A_42 : vector<8x16xf32>
    %swap3A = arith.constant 0 : index
    %swap3A_44 = arith.constant 0 : index
    %swap3A_45 = vector.load %arg9[%swap3A, %swap3A_44] : memref<8x16xf32, #tpu.memory_space<vmem>>, vector<8x16xf32>
    tpu.vector_store %arg9[%swap3A, %swap3A_44], %add3A_43 {strides = array<i32>} : memref<8x16xf32, #tpu.memory_space<vmem>>, vector<8x16xf32>,
    return
  }
}

</mosaic_0001>

<sc_bundles>
// kernel: kernel.6.cloned.1.call-start
scs
__scs_entry_jumppad:
0x0: {  	(pc) =	sbr.rel $0x88, $3  }
0x1: {  	(tag) =	ssettag $0x0;
	lr =	simm.s32 $0x1  }
0x2: {  	[smem:$0x3F8D] =	sst lr;
	_ =	strace $0xD0000000  }
0x3: {  	_ = 	snop  }
0x4: {  	_ = 	snop  }
0x5: {  	_ = 	snop  }
0x6: {  	_ = 	snop  }
0x7: {  	_ = 	snop  }
__scs_overlays_trampoline_lowered:
0x8: {  	[smem:$0x3F9C] =	sst s0  }
0x9: {  	[smem:$0x3F9D] =	sst s1  }
0xa: {  	[smem:$0x3F9E] =	sst s2  }
0xb: {  	[smem:$0x3F9F] =	sst s3  }
0xc: {  	[smem:$0x3FA0] =	sst s4  }
0xd: {  	[smem:$0x3FA1] =	sst s5  }
0xe: {  	[smem:$0x3FA2] =	sst s6  }
0xf: {  	[smem:$0x3FA3] =	sst s7  }
0x10: {  	[smem:$0x3FA4] =	sst s8  }
0x11: {  	[smem:$0x3FA5] =	sst s9;
	s0 =	simm.s32 @!p0 $0x0  }
0x12: {  	s1 =	sld [smem:$0x3F8B];
	s0 =	simm.s32 @p0 $0x1  }
0x13: {  	[smem:$0x3FA6] =	sst s0;
	s0 =	simm.s32 @!p1 $0x0  }
0x14: {  	s2 =	sld [smem:$0x3F8A];
	s0 =	simm.s32 @p1 $0x1  }
0x15: {  	[smem:$0x3FA7] =	sst s0;
	s0 =	simm.s32 @!p2 $0x0  }
0x16: {  	s3 =	sld [smem:$0x3FDB];
	s0 =	simm.s32 @p2 $0x1  }
0x17: {  	s4 =	simm.s32 $0x1BF5;
	[smem:$0x3FA9] =	sst s0  }
0x18: {  	s0 =	sld [smem:$0x3F8C];
	_ =	swait.ge [sflag:s4], $0x0  }
0x19: {  	s7 =	sld [smem:$0x3F8D]  }
0x1a: {  	s8 =	sadd.s32 $0xFFFFE003, lr  }
0x1b: {  	s9 =	sadd.s32 $0xFFFFFEF7, lr;
	s5 =	simm.s32 $0xFFFFFFFF;
	p2 =	slt.u32 s8, $0xFFFFF086  }
0x1c: {  	p1 =	slt.u32 s9, $0xF7A;
	s5 =	simm.s32 @!p2 $0x0  }
0x1d: {  	s5 =	simm.s32 @p1 $0x1;
	p0 =	seq.s32 s7, s2  }
0x1e: {  	s7 =	smul.u32 @!p0 $0xF7A, s2;
	p2 =	seq.s32 @!p0 s5, $0x0  }
0x1f: {  	s9 =	smul.u32 $0xF7A, s1;
	s8 =	simm.s32 @!p0 $0x1BF5;
	p2 =	por !p2, p0  }
0x20: {  	[sflag:s8] =	ssyncset.s32 @!p0 $0xFFFFF086;
	s6 =	sadd.s32 @!p0 s3, s7;
	s7 =	simm.s32 @!p0 $0x108  }
0x21: {  	s3 =	sadd.s32 s3, s9;
	s6 =	sadd.s32 @!p0 $0x88, s6;
	s7 =	simm.s32 @p2 $0x1082  }
0x22: {  	[simem:s7], [sflag:s8] =	dma.local @!p0 [hbm:s6], $0xF7A  }
0x23: {  	s9 =	sor.u32 $0xD0000000, s2;
	s6 =	simm.s32 $0x108;
	_ =	swait.ge @!p0 [sflag:s8], $0x0  }
0x24: {  	s3 =	sadd.s32 $0x88, s3;
	s6 =	simm.s32 @!p1 $0x1082;
	[sflag:s4] =	ssyncset.s32 $0xFFFFF086  }
0x25: {  	[simem:s6], [sflag:s4] =	dma.local [hbm:s3], $0xF7A  }
0x26: {  	[smem:$0x3F8D] =	sst s1;
	(tag) =	ssettag s2;
	_ =	strace s9  }
0x27: {  	s1 =	sld [smem:$0x3F9D]  }
0x28: {  	s2 =	sld [smem:$0x3F9E]  }
0x29: {  	s4 =	sld [smem:$0x3FA0]  }
0x2a: {  	p0 =	seq.s32 s5, $0x0;
	s5 =	sld [smem:$0x3FA1]  }
0x2b: {  	s6 =	sld [smem:$0x3FA2]  }
0x2c: {  	s7 =	sld [smem:$0x3FA3]  }
0x2d: {  	s3 =	simm.s32 $0x108;
	s8 =	sld [smem:$0x3FA4]  }
0x2e: {  	s3 =	simm.s32 @!p0 $0x1082;
	s9 =	sld [smem:$0x3FA5]  }
0x2f: {  	lr =	sadd.s32 s0, s3;
	s0 =	sld [smem:$0x3F9C]  }
0x30: {  	s3 =	sld [smem:$0x3F9F]  }
0x31: {  	[smem:$0x3FA8] =	sst s10  }
0x32: {  	s10 =	sld [smem:$0x3FA6];
	_ =	sdelay $0x3  }
0x33: {  	p0 =	seq.s32 s10, $0x1;
	s10 =	sld [smem:$0x3FA8];
	_ =	sdelay $0x3  }
0x34: {  	[smem:$0x3FA8] =	sst s10  }
0x35: {  	s10 =	sld [smem:$0x3FA7];
	_ =	sdelay $0x3  }
0x36: {  	p1 =	seq.s32 s10, $0x1;
	s10 =	sld [smem:$0x3FA8];
	_ =	sdelay $0x3  }
0x37: {  	[smem:$0x3FA8] =	sst s10  }
0x38: {  	s10 =	sld [smem:$0x3FA9]  }
0x39: {  	_ = 	snop;
	(pc) =	sbr.ind lr, $3  }
0x3a: {  	_ = 	snop  }
0x3b: {  	_ = 	snop  }
0x3c: {  	p2 =	seq.s32 s10, $0x1;
	s10 =	sld [smem:$0x3FA8]  }
0x3d: {  	_ =	shalt  }
0x3e: {  	_ =	shalt  }
0x3f: {  	_ =	shalt  }
0x40: {  	_ =	shalt  }
0x41: {  	_ =	shalt  }
0x42: {  	_ =	shalt  }
0x43: {  	_ =	shalt  }
0x44: {  	_ =	shalt  }
0x45: {  	_ =	shalt  }
0x46: {  	_ =	shalt  }
0x47: {  	_ =	shalt  }
0x48: {  	_ =	shalt  }
0x49: {  	_ =	shalt  }
0x4a: {  	_ =	shalt  }
0x4b: {  	_ =	shalt  }
0x4c: {  	_ =	shalt  }
0x4d: {  	_ =	shalt  }
0x4e: {  	_ =	shalt  }
0x4f: {  	_ =	shalt  }
0x50: {  	_ =	shalt  }
0x51: {  	_ =	shalt  }
0x52: {  	_ =	shalt  }
0x53: {  	_ =	shalt  }
0x54: {  	_ =	shalt  }
0x55: {  	_ =	shalt  }
0x56: {  	_ =	shalt  }
0x57: {  	_ =	shalt  }
0x58: {  	_ =	shalt  }
0x59: {  	_ =	shalt  }
0x5a: {  	_ =	shalt  }
0x5b: {  	_ =	shalt  }
0x5c: {  	_ =	shalt  }
0x5d: {  	_ =	shalt  }
0x5e: {  	_ =	shalt  }
0x5f: {  	_ =	shalt  }
0x60: {  	_ =	shalt  }
0x61: {  	_ =	shalt  }
0x62: {  	_ =	shalt  }
0x63: {  	_ =	shalt  }
0x64: {  	_ =	shalt  }
0x65: {  	_ =	shalt  }
0x66: {  	_ =	shalt  }
0x67: {  	_ =	shalt  }
0x68: {  	_ =	shalt  }
0x69: {  	_ =	shalt  }
0x6a: {  	_ =	shalt  }
0x6b: {  	_ =	shalt  }
0x6c: {  	_ =	shalt  }
0x6d: {  	_ =	shalt  }
0x6e: {  	_ =	shalt  }
0x6f: {  	_ =	shalt  }
0x70: {  	_ =	shalt  }
0x71: {  	_ =	shalt  }
0x72: {  	_ =	shalt  }
0x73: {  	_ =	shalt  }
0x74: {  	_ =	shalt  }
0x75: {  	_ =	shalt  }
0x76: {  	_ =	shalt  }
0x77: {  	_ =	shalt  }
0x78: {  	_ =	shalt  }
0x79: {  	_ =	shalt  }
0x7a: {  	_ =	shalt  }
0x7b: {  	_ =	shalt  }
0x7c: {  	_ =	shalt  }
0x7d: {  	_ =	shalt  }
0x7e: {  	_ =	shalt  }
0x7f: {  	_ =	shalt  }
0x80: {  	_ =	shalt  }
0x81: {  	_ =	shalt  }
0x82: {  	_ =	shalt  }
0x83: {  	_ =	shalt  }
0x84: {  	_ =	shalt  }
0x85: {  	_ =	shalt  }
0x86: {  	_ =	shalt  }
0x87: {  	_ =	shalt  }
.Lfunc_end0:
.L_simem_size_0:
called_computation_lowered:
.L_overlay_start_0:
0x88: {  	s2 =	sld [smem:$0x3FD9]  }
0x89: {  	s3 =	sld [smem:$0x3FFE];
	_ =	sdelay $0x1  }
0x8a: {  	s1 =	srdreg.scid  }
0x8b: {  	s0 =	sand.u32 $0x1, s1  }
0x8c: {  	s16 =	sshll.u32 s0, $0xA;
	s2 =	sadd.s32 s3, s2  }
0x8d: {  	s2 =	sadd.s32 s2, s16  }
0x8e: {  	[smem:$0x3FB4] =	sst s2  }
0x8f: {  	_ = 	snop  }
0x90: {  	(tm) =	ssettm $0x1  }
0x91: {  	s17 =	sld [smem:$0x3FFB];
	_ =	sdelay $0x3  }
0x92: {  	_ =	strace s17  }
0x93: {  	s2 =	sld [smem:$0x3FFC];
	_ =	sdelay $0x3  }
0x94: {  	_ =	strace s2  }
0x95: {  	s2 =	sld [smem:$0x3FFD];
	_ =	sdelay $0x3  }
0x96: {  	_ =	strace s2  }
0x97: {  	_ =	strace $0x8FFFFFFF  }
0x98: {  	s18 =	sld [smem:$0x3FDB];
	_ =	sdelay $0x1  }
0x99: {  	s19 =	simm.s32 $_scs_section_size  }
0x9a: {  	s4 =	simm.s32 $_size__tile_overlayer_lowered;
	s5 =	simm.s32 $_tile_overlayer_lowered  }
0x9b: {  	s22 =	simm.s32 $0x1BFF;
	s21 =	sshll.u32 s5, $0x1;
	s2 =	sadd.s32 s19, s18  }
0x9c: {  	s6 =	simm.s32 $0x0;
	s20 =	sshll.u32 s4, $0x1;
	s4 =	sadd.s32 s21, s2  }
0x9d: {  	[timem:s6], [sflag:s22] =	dma.local [hbm:s4], s20  }
0x9e: {  	_ =	swait.ge [sflag:s22], s20  }
0x9f: {  	s3 =	ssub.s32 $0x0, s20;
	[sflag:s22] =	ssyncset.done $0x0  }
0xa0: {  	[sflag:s22] =	ssyncadd.s32 s3;
	_ =	sdelay $0x1  }
0xa1: {  	s23 =	simm.s32 $0x1B8B  }
0xa2: {  	_ =	swait.ge [sflag:s23], $0x1  }
0xa3: {  	[sflag:s23] =	ssyncset.done $0x0  }
0xa4: {  	s25 =	simm.s32 $0x1B8E;
	s24 =	sld [smem:$0x3FFE];
	[sflag:s23] =	ssyncadd.s32 $0xFFFFFFFF  }
0xa5: {  	s26 =	simm.s32 $execute0_lowered;
	[smem:$0x3FD2] =	sst s25  }
0xa6: {  	s4 =	sshll.u32 s26, $0x1;
	_ =	strace $0x80000046;
	[dreg:$0x1] =	wrdreg $0xFFFFFFFF  }
0xa7: {  	s28 =	simm.s32 $_size_execute0_lowered;
	s2 =	sadd.s32 s2, s4;
	[dreg:$0x0] =	wrdreg $0x0  }
0xa8: {  	s4 =	sshll.u32 s28, $0x1;
	[dreg:$0x2] =	wrdreg s2  }
0xa9: {  	[dreg:$0x3] =	wrdreg s4  }
0xaa: {  	[dreg:$0x4] =	wrdreg $0xC0  }
0xab: {  	_ =	task [dreg:s6], $0x5FFFF  }
0xac: {  	[dreg:$0x1] =	wrdreg $0xFFFFFFFF  }
0xad: {  	[dreg:$0x0] =	wrdreg $0x60  }
0xae: {  	[dreg:$0x2] =	wrdreg s24  }
0xaf: {  	[dreg:$0x3] =	wrdreg $0x9  }
0xb0: {  	_ =	task.clear_ibuf [dreg:s6], $0x4FFFF;
	_ =	strace $0x90000046  }
0xb1: {  	s29 =	simm.s32 $0x9;
	_ =	strace $0x80000048  }
0xb2: {  	_ =	swait.ge [sflag:s29], $0x1  }
0xb3: {  	[sflag:s29] =	ssyncadd.s32 $0xFFFFFFFF  }
0xb4: {  	_ =	strace $0x90000048  }
0xb5: {  	_ =	sfence  }
0xb6: {  	s30 =	sld [smem:$0x0];
	_ =	sdelay $0x2  }
0xb7: {  	s31 =	sshll.u32 s1, $0xD;
	s1 =	sshrl.u32 s1, $0x2  }
0xb8: {  	s3 =	sand.u32 $0x4000, s31;
	s1 =	sadd.s32 s1, s30  }
0xb9: {  	s0 =	sor.u32 s3, s0;
	s1 =	sshll.u32 s1, $0x11  }
0xba: {  	s0 =	sor.u32 s1, s0  }
0xbb: {  	s0 =	sadd.s32 $0x8F2B, s0  }
0xbc: {  	[sflag:s0] =	ssyncadd.remote.s32 $0x1  }
0xbd: {  	_ =	sfence.sel $0xFFFF  }
0xbe: {  	[dreg:$0x0] =	wrdreg $0xFFFFFFFF;
	(pc) =	sbr.abs _section_cstart, $3  }
0xbf: {  	[dreg:$0x1] =	wrdreg $0xFFFFFFFF  }
0xc0: {  	_ =	task.clear_ibuf [dreg:s6], $0x2FFFF;
	_ =	strace $0x9FFFFFFF  }
0xc1: {  	(tm) =	ssettm $0x7FFFFFFF  }
tec
execute0_lowered:
.L_overlay_start_1:
0x0: {  	(tag) =	ssettag $0x1  }
0x1: {  	s1 =	srdreg.scid;
	s0 =	stileid.u32  }
0x2: {  	s5 =	rddreg [dreg:$0x0];
	s2 =	simm.s32 $0x0;
	s8 =	simm.s32 $0x80  }
0x3: {  	s9 =	simm.s32 $0x1;
	s4 =	sand.u32 $0x1, s1;
	s30 =	sshll.u32 s0, $0x1  }
0x4: {  	s10 =	simm.s32 $0x1400;
	s1 =	rddreg [dreg:$0x1];
	s3 =	sor.u32 s4, s30  }
0x5: {  	s11 =	simm.s32 $0x0;
	[smem:$0x7FF] =	sst s2;
	s6 =	smul.u32 $0x280, s3  }
0x6: {  	_ =	strace $0x80000047;
	s4 =	ssub.s32 $0x2, s4;
	s7 =	smul.u32 $0x2800, s3  }
0x7: {  	s3 =	sadd.s32 $0x8200, s5;
	s31 =	sshrl.u32 s4, $0x1;
	s6 =	sadd.s32 s6, s5  }
0x8: {  	s5 =	sadd.s32 s7, s5;
	s7 =	ssub.s32 s4, s31;
	s4 =	sadd.s32 $0x3200, s6  }
0x9: {  	s5 =	sadd.s32 $0xD200, s5;
	s6 =	smax.u32 s7, $0x1;
	s7 =	simm.s32 $0x2  }
.LBB2_1:
0xa: {  	[tilespmem:s2], [sflag:$0x2] =	stream.linear.gather [hbm4b:s4+s2], $0x1400, $0x38;
	[tilespmem:$0x15400] =	vst v63  }
0xb: {  	_ =	swait.ge [sflag:s7], $0x1400  }
0xc: {  	s12 =	simm.s32 $0x200;
	s15 =	simm.s32 $0x0;
	[sflag:s7] =	ssyncset.done $0x0  }
0xd: {  	s13 =	simm.s32 $0x1C00;
	s14 =	simm.s32 $0x1400;
	[sflag:s7] =	ssyncadd.s32 $0xFFFFEC00  }
.LBB2_2:
0xe: {  	[tilespmem:s14], [sflag:$0x1] =	stream.indirect.gather [hbm4b:s3+s8], $0x10, s15, s8, $0xb8;
	[tilespmem:$0x15400] =	vst v63  }
0xf: {  	s15 =	smov.u32 s12;
	s14 =	smov.u32 s13;
	p0 =	sne.s32 s12, $0x4E00  }
.Ltmp0:
0x10: {  	s12 =	sadd.s32 $0x200, s12;
	(pc) =	sbr.rel @p0 .LBB2_2-.Ltmp0, $2  }
0x11: {  	_ =	sdelay $0x2  }
0x12: {  	s13 =	sadd.s32 $0x800, s13;
	s15 =	sshra.s32 s15, $0x2  }
0x13: {  	[tilespmem:s14], [sflag:$0x1] =	stream.indirect.gather [hbm4b:s3+s8], $0x10, s15, s8, $0xb8;
	[tilespmem:$0x15400] =	vst v63  }
0x14: {  	s11 =	sadd.s32 $0x1, s11;
	_ =	swait.ge [sflag:s9], $0x14000  }
0x15: {  	p0 =	sne.s32 s11, s6;
	[sflag:s9] =	ssyncset.done $0x0  }
.Ltmp1:
0x16: {  	[sflag:s9] =	ssyncadd.s32 $0xFFFEC000;
	(pc) =	sbr.rel @p0 .LBB2_1-.Ltmp1, $4  }
0x17: {  	[hbm4b:s5+s2] =	stream.linear.scatter [tilespmem:s10], [sflag:$0x2], $0x14000, $0x38;
	[tilespmem:$0x15400] =	vst v63  }
0x18: {  	_ =	swait.ge [sflag:s7], $0x14000  }
0x19: {  	[sflag:s7] =	ssyncset.done $0x0  }
0x1a: {  	[sflag:s7] =	ssyncadd.s32 $0xFFFEC000  }
0x1b: {  	_ =	sfence.sel $0x180000  }
0x1c: {  	[bflag:$0x0] =	sbarrier.arrive $0xFFFF  }
0x1d: {  	p0 =	sne.s32 s0, $0x0;
	_ =	strace $0x90000047  }
0x1e: {  	s0 =	sadd.s32 @!p0 $0x100000, s1;
	[bflag:$0x2] =	sbarrier.arrive $0xFFFF  }
0x1f: {  	[sflag:s0] =	ssyncadd.tile.s32 @!p0 $0x1;
	_ =	shalt  }
.Lfunc_end2:
_tile_overlayer_lowered:
.L_overlay_start_2:
0x20: {  	(tag) =	ssettag $0x2  }
0x21: {  	s0 =	rddreg [dreg:$0x0];
	s2 =	stileid.u32  }
0x22: {  	s1 =	rddreg [dreg:$0x1];
	p0 =	sne.s32 s2, $0x0  }
0x23: {  	s3 =	rddreg [dreg:$0x2];
	[bflag:$0x3] =	sbarrier.arrive $0xFFFF;
	s2 =	simm.s32 @!p0 $0x1C02  }
0x24: {  	[timem:s3], [sflag:s2] =	dma.local @!p0 [hbm:s0], s1  }
0x25: {  	s0 =	simm.s32 @!p0 $0x2  }
0x26: {  	_ =	swait.ge @!p0 [sflag:s0], s1  }
0x27: {  	s1 =	ssub.s32 @!p0 $0x0, s1;
	[sflag:s0] =	ssyncset.done @!p0 $0x0  }
0x28: {  	[sflag:s0] =	ssyncadd.s32 @!p0 s1  }
0x29: {  	[bflag:$0x3] =	sbarrier.arrive $0xFFFF  }
0x2a: {  	_ =	shalt  }

</sc_bundles>
